<compile_context>
chip_gen: v7x
topology: tpu7x:2x2x1
jax: 0.10.2.dev20260603
libtpu: 0.0.44.dev20260713+nightly
codegen_flags: <defaults>
</compile_context>

<pallas_src>
import functools

import jax
import jax.numpy as jnp
from jax import lax
from jax.experimental import pallas as pl
from jax.experimental.pallas import tpu as pltpu
from jax.experimental.pallas import tpu_sc as plsc

N = 10000
E = 320000
D = 128
NSUB = 16
NP = N + 112
ROWS_PER_SUB = NP // NSUB
CHUNK = 128
NCHUNK = 157
EDGES_PER_SUB = CHUNK * NCHUNK
E_PAD = EDGES_PER_SUB * NSUB


def _sc_accumulate(table, src, dst, zeros2d):
    mesh = plsc.VectorSubcoreMesh(core_axis_name="c", subcore_axis_name="s")

    @functools.partial(
        pl.kernel,
        out_type=(
            jax.ShapeDtypeStruct((2, NP, D), jnp.float32),
            jax.ShapeDtypeStruct((2 * NP,), jnp.float32),
        ),
        mesh=mesh,
        scratch_types=[
            pltpu.VMEM_SHARED((NP, D), jnp.float32),
            pltpu.VMEM_SHARED((NP,), jnp.float32),
            pltpu.VMEM((CHUNK,), jnp.float32),
            pltpu.VMEM((640,), jnp.float32),
            pltpu.VMEM((CHUNK,), jnp.int32),
            pltpu.VMEM((CHUNK,), jnp.int32),
            pltpu.VMEM((CHUNK, D), jnp.float32),
            pltpu.SemaphoreType.DMA,
        ],
    )
    def body(tab_hbm, src_hbm, dst_hbm, z2_hbm, sum_hbm, cnt_hbm,
             acc, cnt_sh, ones, stage, sidx, didx, rows, sem):
        c = lax.axis_index("c")
        s = lax.axis_index("s")
        r0 = s * ROWS_PER_SUB
        pltpu.sync_copy(z2_hbm, acc.at[pl.ds(r0, ROWS_PER_SUB)])
        ones16 = jnp.full((16,), 1.0, jnp.float32)
        for k in range(CHUNK // 16):
            ones[pl.ds(k * 16, 16)] = ones16
        zero16 = jnp.zeros((16,), jnp.float32)
        for k in range(640 // 16):
            stage[pl.ds(k * 16, 16)] = zero16
        pltpu.sync_copy(stage.at[pl.ds(0, ROWS_PER_SUB)],
                        cnt_sh.at[pl.ds(r0, ROWS_PER_SUB)])
        plsc.subcore_barrier()

        base0 = c * E_PAD + s * EDGES_PER_SUB

        def step(j, carry):
            base = base0 + j * CHUNK
            pltpu.sync_copy(src_hbm.at[pl.ds(base, CHUNK)], sidx)
            pltpu.sync_copy(dst_hbm.at[pl.ds(base, CHUNK)], didx)
            pltpu.sync_copy(tab_hbm.at[sidx], rows)
            pltpu.sync_copy(rows, acc.at[didx], add=True)
            pltpu.sync_copy(ones, cnt_sh.at[didx], add=True)
            return carry

        lax.fori_loop(0, NCHUNK, step, 0)
        plsc.subcore_barrier()
        pltpu.sync_copy(acc.at[pl.ds(r0, ROWS_PER_SUB)],
                        sum_hbm.at[c, pl.ds(r0, ROWS_PER_SUB)])
        pltpu.sync_copy(cnt_sh.at[pl.ds(r0, ROWS_PER_SUB)],
                        stage.at[pl.ds(0, ROWS_PER_SUB)])
        pltpu.sync_copy(stage.at[pl.ds(0, ROWS_PER_SUB)],
                        cnt_hbm.at[pl.ds(c * NP + r0, ROWS_PER_SUB)])

    return body(table, src, dst, zeros2d)


def _tc_combine(sums_ref, cnts_ref, lbls_ref, msk_ref, out_ref):
    c1 = jnp.maximum(cnts_ref[0][:N, :], 1.0)
    c2 = jnp.maximum(cnts_ref[1][:N, :], 1.0)
    m = 0.5 * (sums_ref[0][:N, :] / c1 + sums_ref[1][:N, :] / c2)
    out_ref[...] = jnp.where(msk_ref[...] > 0, m, lbls_ref[...])


def kernel(lbls, no_lbl_idx, knn_sc, knn_fc):
    pad = ((0, 0), (0, E_PAD - E))
    src = jnp.pad(jnp.stack([knn_sc[0], knn_fc[0]]), pad,
                  constant_values=0).reshape(2 * E_PAD)
    dst = jnp.pad(jnp.stack([knn_sc[1], knn_fc[1]]), pad,
                  constant_values=N).reshape(2 * E_PAD)
    zeros2d = jnp.zeros((ROWS_PER_SUB, D), jnp.float32)

    sums, cnts = _sc_accumulate(lbls, src, dst, zeros2d)

    msk = no_lbl_idx.astype(jnp.int32).reshape(N, 1)
    return pl.pallas_call(
        _tc_combine,
        out_shape=jax.ShapeDtypeStruct((N, D), jnp.float32),
    )(sums, cnts.reshape(2, NP, 1), lbls, msk)

# --- scband reference (transcript-rebuilt; emitter-appended) ---
"""Pipeline reference for scband-label-prop-6622839570803 (READ-ONLY COPY).

The authoritative reference and input builder live on the scoring server;
editing this copy changes nothing except your own understanding.
"""

import jax, jax.numpy as jnp
import numpy as np

N = 10000
E = 320000
D = 128


def setup_inputs(seed: int = 0) -> dict:
    key = jax.random.key(seed)
    k1, k2, k3, k4 = jax.random.split(key, 4)
    lbls = jax.random.normal(k1, (N, D), dtype=jnp.float32)
    no_lbl_idx = jax.random.randint(k2, (N,), 0, 2).astype(jnp.bool_)
    knn_sc = jax.random.randint(k3, (2, E), 0, N, dtype=jnp.int32)
    knn_fc = jax.random.randint(k4, (2, E), 0, N, dtype=jnp.int32)
    return {"lbls": lbls, "no_lbl_idx": no_lbl_idx, "knn_sc": knn_sc, "knn_fc": knn_fc}


def _fusion(lbls, edge_index, null_mask):
    # DGL in_edges(v=null nodes) + scatter-mean over dst is equivalent to a full
    # scatter-mean over all edges followed by selecting the null rows, since rows
    # whose dst is not null are overwritten back to their original labels.
    src = edge_index[0]
    dst = edge_index[1]
    n = lbls.shape[0]
    msgs = lbls[src]  # gather: [E, D]
    sums = jax.ops.segment_sum(msgs, dst, num_segments=n)  # scatter-add
    cnt = jax.ops.segment_sum(jnp.ones((edge_index.shape[1],), dtype=lbls.dtype), dst, num_segments=n)
    mean = sums / jnp.maximum(cnt, 1.0)[:, None]  # scatter 'mean' (0 for empty segments)
    return jnp.where(null_mask[:, None], mean, lbls)


def reference(lbls, no_lbl_idx, knn_sc, knn_fc):
    lbls1 = _fusion(lbls, knn_sc, no_lbl_idx)
    lbls2 = _fusion(lbls, knn_fc, no_lbl_idx)
    return (lbls1 + lbls2) / 2.0

if __name__ == "__main__":
    import jax
    _d = setup_inputs()
    print(jax.jit(kernel)(*tuple(_d.values())))

</pallas_src>

<mosaic_0001>
#map = affine_map<(d0, d1) -> (0, 0)>
#map1 = affine_map<(d0, d1) -> (0)>
#map2 = affine_map<(d0, d1) -> (0, 0, 0)>
module attributes {stable_mosaic.version = 14 : i64} {
  func.func @body(%arg0: i32, %arg1: i32, %arg2: memref<10000x128xf32, #tpu.memory_space<hbm>>, %arg3: memref<643072xi32, #tpu.memory_space<hbm>>, %arg4: memref<643072xi32, #tpu.memory_space<hbm>>, %arg5: memref<632x128xf32, #tpu.memory_space<hbm>>, %arg6: memref<2x10112x128xf32, #tpu.memory_space<hbm>>, %arg7: memref<20224xf32, #tpu.memory_space<hbm>>, %arg8: memref<10112x128xf32, #tpu.memory_space<vmem_shared>>, %arg9: memref<10112xf32, #tpu.memory_space<vmem_shared>>, %arg10: memref<128xf32, #tpu.memory_space<vmem>>, %arg11: memref<640xf32, #tpu.memory_space<vmem>>, %arg12: memref<128xi32, #tpu.memory_space<vmem>>, %arg13: memref<128xi32, #tpu.memory_space<vmem>>, %arg14: memref<128x128xf32, #tpu.memory_space<vmem>>, %arg15: memref<!tpu.dma_semaphore, #tpu.memory_space<semaphore_mem>>) attributes {dimension_semantics = [#tpu.dimension_semantics<core_parallel>, #tpu.dimension_semantics<subcore_parallel>], iteration_bounds = array<i64: 2, 16>, scalar_prefetch = 0 : i64, scratch_operands = 8 : i64, tpu.core_type = #tpu.core_type<sc_vector_subcore>, window_params = [{transform_indices = #map}, {transform_indices = #map1}, {transform_indices = #map1}, {transform_indices = #map}, {transform_indices = #map2}, {transform_indices = #map1}]} {
    %mul3A = arith.constant 632 : i32
    %mul3A_0 = arith.muli %arg1, %mul3A : i32
    "tpu.region"() ({
      %run_scoped3A = tpu.sem_alloc : memref<!tpu.dma_semaphore, #tpu.memory_space<semaphore_mem>>
      %dma_start3A = arith.constant 0 : i32
      %dma_start3A_208 = tpu.memref_slice %arg8[%mul3A_0, %dma_start3A] : memref<10112x128xf32, #tpu.memory_space<vmem_shared>> -> memref<632x128xf32, #tpu.memory_space<vmem_shared>>
      tpu.enqueue_dma source(%arg5 : memref<632x128xf32, #tpu.memory_space<hbm>>) target(%dma_start3A_208 : memref<632x128xf32, #tpu.memory_space<vmem_shared>>) target_semaphore(%run_scoped3A : memref<!tpu.dma_semaphore, #tpu.memory_space<semaphore_mem>>)
      %dma_wait3A = arith.constant 0 : i32
      %dma_wait3A_209 = tpu.memref_slice %arg8[%mul3A_0, %dma_wait3A] : memref<10112x128xf32, #tpu.memory_space<vmem_shared>> -> memref<632x128xf32, #tpu.memory_space<vmem_shared>>
      tpu.wait_dma2 semaphore(%run_scoped3A : memref<!tpu.dma_semaphore, #tpu.memory_space<semaphore_mem>>) src(%arg5 : memref<632x128xf32, #tpu.memory_space<hbm>>) dst(%dma_wait3A_209 : memref<632x128xf32, #tpu.memory_space<vmem_shared>>)
      tpu.yield
    }) : () -> ()
    %broadcast_in_dim3A = arith.constant 1.000000e+00 : f32
    %broadcast_in_dim3A_1 = vector.broadcast %broadcast_in_dim3A : f32 to vector<16xf32>
    %swap3A = arith.constant 0 : index
    %swap3A_2 = tpu.vector_load %arg10[%swap3A] {strides = array<i32>} : memref<128xf32, #tpu.memory_space<vmem>>, vector<16xf32>,
    %swap3A_3 = vector.shape_cast %swap3A_2 : vector<16xf32> to vector<16xf32>
    %swap3A_4 = vector.shape_cast %broadcast_in_dim3A_1 : vector<16xf32> to vector<16xf32>
    tpu.vector_store %arg10[%swap3A], %swap3A_4 {strides = array<i32>} : memref<128xf32, #tpu.memory_space<vmem>>, vector<16xf32>,
    %swap3A_5 = arith.constant 16 : index
    %swap3A_6 = tpu.vector_load %arg10[%swap3A_5] {strides = array<i32>} : memref<128xf32, #tpu.memory_space<vmem>>, vector<16xf32>,
    %swap3A_7 = vector.shape_cast %swap3A_6 : vector<16xf32> to vector<16xf32>
    %swap3A_8 = vector.shape_cast %broadcast_in_dim3A_1 : vector<16xf32> to vector<16xf32>
    tpu.vector_store %arg10[%swap3A_5], %swap3A_8 {strides = array<i32>} : memref<128xf32, #tpu.memory_space<vmem>>, vector<16xf32>,
    %swap3A_9 = arith.constant 32 : index
    %swap3A_10 = tpu.vector_load %arg10[%swap3A_9] {strides = array<i32>} : memref<128xf32, #tpu.memory_space<vmem>>, vector<16xf32>,
    %swap3A_11 = vector.shape_cast %swap3A_10 : vector<16xf32> to vector<16xf32>
    %swap3A_12 = vector.shape_cast %broadcast_in_dim3A_1 : vector<16xf32> to vector<16xf32>
    tpu.vector_store %arg10[%swap3A_9], %swap3A_12 {strides = array<i32>} : memref<128xf32, #tpu.memory_space<vmem>>, vector<16xf32>,
    %swap3A_13 = arith.constant 48 : index
    %swap3A_14 = tpu.vector_load %arg10[%swap3A_13] {strides = array<i32>} : memref<128xf32, #tpu.memory_space<vmem>>, vector<16xf32>,
    %swap3A_15 = vector.shape_cast %swap3A_14 : vector<16xf32> to vector<16xf32>
    %swap3A_16 = vector.shape_cast %broadcast_in_dim3A_1 : vector<16xf32> to vector<16xf32>
    tpu.vector_store %arg10[%swap3A_13], %swap3A_16 {strides = array<i32>} : memref<128xf32, #tpu.memory_space<vmem>>, vector<16xf32>,
    %swap3A_17 = arith.constant 64 : index
    %swap3A_18 = tpu.vector_load %arg10[%swap3A_17] {strides = array<i32>} : memref<128xf32, #tpu.memory_space<vmem>>, vector<16xf32>,
    %swap3A_19 = vector.shape_cast %swap3A_18 : vector<16xf32> to vector<16xf32>
    %swap3A_20 = vector.shape_cast %broadcast_in_dim3A_1 : vector<16xf32> to vector<16xf32>
    tpu.vector_store %arg10[%swap3A_17], %swap3A_20 {strides = array<i32>} : memref<128xf32, #tpu.memory_space<vmem>>, vector<16xf32>,
    %swap3A_21 = arith.constant 80 : index
    %swap3A_22 = tpu.vector_load %arg10[%swap3A_21] {strides = array<i32>} : memref<128xf32, #tpu.memory_space<vmem>>, vector<16xf32>,
    %swap3A_23 = vector.shape_cast %swap3A_22 : vector<16xf32> to vector<16xf32>
    %swap3A_24 = vector.shape_cast %broadcast_in_dim3A_1 : vector<16xf32> to vector<16xf32>
    tpu.vector_store %arg10[%swap3A_21], %swap3A_24 {strides = array<i32>} : memref<128xf32, #tpu.memory_space<vmem>>, vector<16xf32>,
    %swap3A_25 = arith.constant 96 : index
    %swap3A_26 = tpu.vector_load %arg10[%swap3A_25] {strides = array<i32>} : memref<128xf32, #tpu.memory_space<vmem>>, vector<16xf32>,
    %swap3A_27 = vector.shape_cast %swap3A_26 : vector<16xf32> to vector<16xf32>
    %swap3A_28 = vector.shape_cast %broadcast_in_dim3A_1 : vector<16xf32> to vector<16xf32>
    tpu.vector_store %arg10[%swap3A_25], %swap3A_28 {strides = array<i32>} : memref<128xf32, #tpu.memory_space<vmem>>, vector<16xf32>,
    %swap3A_29 = arith.constant 112 : index
    %swap3A_30 = tpu.vector_load %arg10[%swap3A_29] {strides = array<i32>} : memref<128xf32, #tpu.memory_space<vmem>>, vector<16xf32>,
    %swap3A_31 = vector.shape_cast %swap3A_30 : vector<16xf32> to vector<16xf32>
    %swap3A_32 = vector.shape_cast %broadcast_in_dim3A_1 : vector<16xf32> to vector<16xf32>
    tpu.vector_store %arg10[%swap3A_29], %swap3A_32 {strides = array<i32>} : memref<128xf32, #tpu.memory_space<vmem>>, vector<16xf32>,
    %broadcast_in_dim3A_33 = arith.constant 0.000000e+00 : f32
    %broadcast_in_dim3A_34 = vector.broadcast %broadcast_in_dim3A_33 : f32 to vector<16xf32>
    %swap3A_35 = arith.constant 0 : index
    %swap3A_36 = tpu.vector_load %arg11[%swap3A_35] {strides = array<i32>} : memref<640xf32, #tpu.memory_space<vmem>>, vector<16xf32>,
    %swap3A_37 = vector.shape_cast %swap3A_36 : vector<16xf32> to vector<16xf32>
    %swap3A_38 = vector.shape_cast %broadcast_in_dim3A_34 : vector<16xf32> to vector<16xf32>
    tpu.vector_store %arg11[%swap3A_35], %swap3A_38 {strides = array<i32>} : memref<640xf32, #tpu.memory_space<vmem>>, vector<16xf32>,
    %swap3A_39 = arith.constant 16 : index
    %swap3A_40 = tpu.vector_load %arg11[%swap3A_39] {strides = array<i32>} : memref<640xf32, #tpu.memory_space<vmem>>, vector<16xf32>,
    %swap3A_41 = vector.shape_cast %swap3A_40 : vector<16xf32> to vector<16xf32>
    %swap3A_42 = vector.shape_cast %broadcast_in_dim3A_34 : vector<16xf32> to vector<16xf32>
    tpu.vector_store %arg11[%swap3A_39], %swap3A_42 {strides = array<i32>} : memref<640xf32, #tpu.memory_space<vmem>>, vector<16xf32>,
    %swap3A_43 = arith.constant 32 : index
    %swap3A_44 = tpu.vector_load %arg11[%swap3A_43] {strides = array<i32>} : memref<640xf32, #tpu.memory_space<vmem>>, vector<16xf32>,
    %swap3A_45 = vector.shape_cast %swap3A_44 : vector<16xf32> to vector<16xf32>
    %swap3A_46 = vector.shape_cast %broadcast_in_dim3A_34 : vector<16xf32> to vector<16xf32>
    tpu.vector_store %arg11[%swap3A_43], %swap3A_46 {strides = array<i32>} : memref<640xf32, #tpu.memory_space<vmem>>, vector<16xf32>,
    %swap3A_47 = arith.constant 48 : index
    %swap3A_48 = tpu.vector_load %arg11[%swap3A_47] {strides = array<i32>} : memref<640xf32, #tpu.memory_space<vmem>>, vector<16xf32>,
    %swap3A_49 = vector.shape_cast %swap3A_48 : vector<16xf32> to vector<16xf32>
    %swap3A_50 = vector.shape_cast %broadcast_in_dim3A_34 : vector<16xf32> to vector<16xf32>
    tpu.vector_store %arg11[%swap3A_47], %swap3A_50 {strides = array<i32>} : memref<640xf32, #tpu.memory_space<vmem>>, vector<16xf32>,
    %swap3A_51 = arith.constant 64 : index
    %swap3A_52 = tpu.vector_load %arg11[%swap3A_51] {strides = array<i32>} : memref<640xf32, #tpu.memory_space<vmem>>, vector<16xf32>,
    %swap3A_53 = vector.shape_cast %swap3A_52 : vector<16xf32> to vector<16xf32>
    %swap3A_54 = vector.shape_cast %broadcast_in_dim3A_34 : vector<16xf32> to vector<16xf32>
    tpu.vector_store %arg11[%swap3A_51], %swap3A_54 {strides = array<i32>} : memref<640xf32, #tpu.memory_space<vmem>>, vector<16xf32>,
    %swap3A_55 = arith.constant 80 : index
    %swap3A_56 = tpu.vector_load %arg11[%swap3A_55] {strides = array<i32>} : memref<640xf32, #tpu.memory_space<vmem>>, vector<16xf32>,
    %swap3A_57 = vector.shape_cast %swap3A_56 : vector<16xf32> to vector<16xf32>
    %swap3A_58 = vector.shape_cast %broadcast_in_dim3A_34 : vector<16xf32> to vector<16xf32>
    tpu.vector_store %arg11[%swap3A_55], %swap3A_58 {strides = array<i32>} : memref<640xf32, #tpu.memory_space<vmem>>, vector<16xf32>,
    %swap3A_59 = arith.constant 96 : index
    %swap3A_60 = tpu.vector_load %arg11[%swap3A_59] {strides = array<i32>} : memref<640xf32, #tpu.memory_space<vmem>>, vector<16xf32>,
    %swap3A_61 = vector.shape_cast %swap3A_60 : vector<16xf32> to vector<16xf32>
    %swap3A_62 = vector.shape_cast %broadcast_in_dim3A_34 : vector<16xf32> to vector<16xf32>
    tpu.vector_store %arg11[%swap3A_59], %swap3A_62 {strides = array<i32>} : memref<640xf32, #tpu.memory_space<vmem>>, vector<16xf32>,
    %swap3A_63 = arith.constant 112 : index
    %swap3A_64 = tpu.vector_load %arg11[%swap3A_63] {strides = array<i32>} : memref<640xf32, #tpu.memory_space<vmem>>, vector<16xf32>,
    %swap3A_65 = vector.shape_cast %swap3A_64 : vector<16xf32> to vector<16xf32>
    %swap3A_66 = vector.shape_cast %broadcast_in_dim3A_34 : vector<16xf32> to vector<16xf32>
    tpu.vector_store %arg11[%swap3A_63], %swap3A_66 {strides = array<i32>} : memref<640xf32, #tpu.memory_space<vmem>>, vector<16xf32>,
    %swap3A_67 = arith.constant 128 : index
    %swap3A_68 = tpu.vector_load %arg11[%swap3A_67] {strides = array<i32>} : memref<640xf32, #tpu.memory_space<vmem>>, vector<16xf32>,
    %swap3A_69 = vector.shape_cast %swap3A_68 : vector<16xf32> to vector<16xf32>
    %swap3A_70 = vector.shape_cast %broadcast_in_dim3A_34 : vector<16xf32> to vector<16xf32>
    tpu.vector_store %arg11[%swap3A_67], %swap3A_70 {strides = array<i32>} : memref<640xf32, #tpu.memory_space<vmem>>, vector<16xf32>,
    %swap3A_71 = arith.constant 144 : index
    %swap3A_72 = tpu.vector_load %arg11[%swap3A_71] {strides = array<i32>} : memref<640xf32, #tpu.memory_space<vmem>>, vector<16xf32>,
    %swap3A_73 = vector.shape_cast %swap3A_72 : vector<16xf32> to vector<16xf32>
    %swap3A_74 = vector.shape_cast %broadcast_in_dim3A_34 : vector<16xf32> to vector<16xf32>
    tpu.vector_store %arg11[%swap3A_71], %swap3A_74 {strides = array<i32>} : memref<640xf32, #tpu.memory_space<vmem>>, vector<16xf32>,
    %swap3A_75 = arith.constant 160 : index
    %swap3A_76 = tpu.vector_load %arg11[%swap3A_75] {strides = array<i32>} : memref<640xf32, #tpu.memory_space<vmem>>, vector<16xf32>,
    %swap3A_77 = vector.shape_cast %swap3A_76 : vector<16xf32> to vector<16xf32>
    %swap3A_78 = vector.shape_cast %broadcast_in_dim3A_34 : vector<16xf32> to vector<16xf32>
    tpu.vector_store %arg11[%swap3A_75], %swap3A_78 {strides = array<i32>} : memref<640xf32, #tpu.memory_space<vmem>>, vector<16xf32>,
    %swap3A_79 = arith.constant 176 : index
    %swap3A_80 = tpu.vector_load %arg11[%swap3A_79] {strides = array<i32>} : memref<640xf32, #tpu.memory_space<vmem>>, vector<16xf32>,
    %swap3A_81 = vector.shape_cast %swap3A_80 : vector<16xf32> to vector<16xf32>
    %swap3A_82 = vector.shape_cast %broadcast_in_dim3A_34 : vector<16xf32> to vector<16xf32>
    tpu.vector_store %arg11[%swap3A_79], %swap3A_82 {strides = array<i32>} : memref<640xf32, #tpu.memory_space<vmem>>, vector<16xf32>,
    %swap3A_83 = arith.constant 192 : index
    %swap3A_84 = tpu.vector_load %arg11[%swap3A_83] {strides = array<i32>} : memref<640xf32, #tpu.memory_space<vmem>>, vector<16xf32>,
    %swap3A_85 = vector.shape_cast %swap3A_84 : vector<16xf32> to vector<16xf32>
    %swap3A_86 = vector.shape_cast %broadcast_in_dim3A_34 : vector<16xf32> to vector<16xf32>
    tpu.vector_store %arg11[%swap3A_83], %swap3A_86 {strides = array<i32>} : memref<640xf32, #tpu.memory_space<vmem>>, vector<16xf32>,
    %swap3A_87 = arith.constant 208 : index
    %swap3A_88 = tpu.vector_load %arg11[%swap3A_87] {strides = array<i32>} : memref<640xf32, #tpu.memory_space<vmem>>, vector<16xf32>,
    %swap3A_89 = vector.shape_cast %swap3A_88 : vector<16xf32> to vector<16xf32>
    %swap3A_90 = vector.shape_cast %broadcast_in_dim3A_34 : vector<16xf32> to vector<16xf32>
    tpu.vector_store %arg11[%swap3A_87], %swap3A_90 {strides = array<i32>} : memref<640xf32, #tpu.memory_space<vmem>>, vector<16xf32>,
    %swap3A_91 = arith.constant 224 : index
    %swap3A_92 = tpu.vector_load %arg11[%swap3A_91] {strides = array<i32>} : memref<640xf32, #tpu.memory_space<vmem>>, vector<16xf32>,
    %swap3A_93 = vector.shape_cast %swap3A_92 : vector<16xf32> to vector<16xf32>
    %swap3A_94 = vector.shape_cast %broadcast_in_dim3A_34 : vector<16xf32> to vector<16xf32>
    tpu.vector_store %arg11[%swap3A_91], %swap3A_94 {strides = array<i32>} : memref<640xf32, #tpu.memory_space<vmem>>, vector<16xf32>,
    %swap3A_95 = arith.constant 240 : index
    %swap3A_96 = tpu.vector_load %arg11[%swap3A_95] {strides = array<i32>} : memref<640xf32, #tpu.memory_space<vmem>>, vector<16xf32>,
    %swap3A_97 = vector.shape_cast %swap3A_96 : vector<16xf32> to vector<16xf32>
    %swap3A_98 = vector.shape_cast %broadcast_in_dim3A_34 : vector<16xf32> to vector<16xf32>
    tpu.vector_store %arg11[%swap3A_95], %swap3A_98 {strides = array<i32>} : memref<640xf32, #tpu.memory_space<vmem>>, vector<16xf32>,
    %swap3A_99 = arith.constant 256 : index
    %swap3A_100 = tpu.vector_load %arg11[%swap3A_99] {strides = array<i32>} : memref<640xf32, #tpu.memory_space<vmem>>, vector<16xf32>,
    %swap3A_101 = vector.shape_cast %swap3A_100 : vector<16xf32> to vector<16xf32>
    %swap3A_102 = vector.shape_cast %broadcast_in_dim3A_34 : vector<16xf32> to vector<16xf32>
    tpu.vector_store %arg11[%swap3A_99], %swap3A_102 {strides = array<i32>} : memref<640xf32, #tpu.memory_space<vmem>>, vector<16xf32>,
    %swap3A_103 = arith.constant 272 : index
    %swap3A_104 = tpu.vector_load %arg11[%swap3A_103] {strides = array<i32>} : memref<640xf32, #tpu.memory_space<vmem>>, vector<16xf32>,
    %swap3A_105 = vector.shape_cast %swap3A_104 : vector<16xf32> to vector<16xf32>
    %swap3A_106 = vector.shape_cast %broadcast_in_dim3A_34 : vector<16xf32> to vector<16xf32>
    tpu.vector_store %arg11[%swap3A_103], %swap3A_106 {strides = array<i32>} : memref<640xf32, #tpu.memory_space<vmem>>, vector<16xf32>,
    %swap3A_107 = arith.constant 288 : index
    %swap3A_108 = tpu.vector_load %arg11[%swap3A_107] {strides = array<i32>} : memref<640xf32, #tpu.memory_space<vmem>>, vector<16xf32>,
    %swap3A_109 = vector.shape_cast %swap3A_108 : vector<16xf32> to vector<16xf32>
    %swap3A_110 = vector.shape_cast %broadcast_in_dim3A_34 : vector<16xf32> to vector<16xf32>
    tpu.vector_store %arg11[%swap3A_107], %swap3A_110 {strides = array<i32>} : memref<640xf32, #tpu.memory_space<vmem>>, vector<16xf32>,
    %swap3A_111 = arith.constant 304 : index
    %swap3A_112 = tpu.vector_load %arg11[%swap3A_111] {strides = array<i32>} : memref<640xf32, #tpu.memory_space<vmem>>, vector<16xf32>,
    %swap3A_113 = vector.shape_cast %swap3A_112 : vector<16xf32> to vector<16xf32>
    %swap3A_114 = vector.shape_cast %broadcast_in_dim3A_34 : vector<16xf32> to vector<16xf32>
    tpu.vector_store %arg11[%swap3A_111], %swap3A_114 {strides = array<i32>} : memref<640xf32, #tpu.memory_space<vmem>>, vector<16xf32>,
    %swap3A_115 = arith.constant 320 : index
    %swap3A_116 = tpu.vector_load %arg11[%swap3A_115] {strides = array<i32>} : memref<640xf32, #tpu.memory_space<vmem>>, vector<16xf32>,
    %swap3A_117 = vector.shape_cast %swap3A_116 : vector<16xf32> to vector<16xf32>
    %swap3A_118 = vector.shape_cast %broadcast_in_dim3A_34 : vector<16xf32> to vector<16xf32>
    tpu.vector_store %arg11[%swap3A_115], %swap3A_118 {strides = array<i32>} : memref<640xf32, #tpu.memory_space<vmem>>, vector<16xf32>,
    %swap3A_119 = arith.constant 336 : index
    %swap3A_120 = tpu.vector_load %arg11[%swap3A_119] {strides = array<i32>} : memref<640xf32, #tpu.memory_space<vmem>>, vector<16xf32>,
    %swap3A_121 = vector.shape_cast %swap3A_120 : vector<16xf32> to vector<16xf32>
    %swap3A_122 = vector.shape_cast %broadcast_in_dim3A_34 : vector<16xf32> to vector<16xf32>
    tpu.vector_store %arg11[%swap3A_119], %swap3A_122 {strides = array<i32>} : memref<640xf32, #tpu.memory_space<vmem>>, vector<16xf32>,
    %swap3A_123 = arith.constant 352 : index
    %swap3A_124 = tpu.vector_load %arg11[%swap3A_123] {strides = array<i32>} : memref<640xf32, #tpu.memory_space<vmem>>, vector<16xf32>,
    %swap3A_125 = vector.shape_cast %swap3A_124 : vector<16xf32> to vector<16xf32>
    %swap3A_126 = vector.shape_cast %broadcast_in_dim3A_34 : vector<16xf32> to vector<16xf32>
    tpu.vector_store %arg11[%swap3A_123], %swap3A_126 {strides = array<i32>} : memref<640xf32, #tpu.memory_space<vmem>>, vector<16xf32>,
    %swap3A_127 = arith.constant 368 : index
    %swap3A_128 = tpu.vector_load %arg11[%swap3A_127] {strides = array<i32>} : memref<640xf32, #tpu.memory_space<vmem>>, vector<16xf32>,
    %swap3A_129 = vector.shape_cast %swap3A_128 : vector<16xf32> to vector<16xf32>
    %swap3A_130 = vector.shape_cast %broadcast_in_dim3A_34 : vector<16xf32> to vector<16xf32>
    tpu.vector_store %arg11[%swap3A_127], %swap3A_130 {strides = array<i32>} : memref<640xf32, #tpu.memory_space<vmem>>, vector<16xf32>,
    %swap3A_131 = arith.constant 384 : index
    %swap3A_132 = tpu.vector_load %arg11[%swap3A_131] {strides = array<i32>} : memref<640xf32, #tpu.memory_space<vmem>>, vector<16xf32>,
    %swap3A_133 = vector.shape_cast %swap3A_132 : vector<16xf32> to vector<16xf32>
    %swap3A_134 = vector.shape_cast %broadcast_in_dim3A_34 : vector<16xf32> to vector<16xf32>
    tpu.vector_store %arg11[%swap3A_131], %swap3A_134 {strides = array<i32>} : memref<640xf32, #tpu.memory_space<vmem>>, vector<16xf32>,
    %swap3A_135 = arith.constant 400 : index
    %swap3A_136 = tpu.vector_load %arg11[%swap3A_135] {strides = array<i32>} : memref<640xf32, #tpu.memory_space<vmem>>, vector<16xf32>,
    %swap3A_137 = vector.shape_cast %swap3A_136 : vector<16xf32> to vector<16xf32>
    %swap3A_138 = vector.shape_cast %broadcast_in_dim3A_34 : vector<16xf32> to vector<16xf32>
    tpu.vector_store %arg11[%swap3A_135], %swap3A_138 {strides = array<i32>} : memref<640xf32, #tpu.memory_space<vmem>>, vector<16xf32>,
    %swap3A_139 = arith.constant 416 : index
    %swap3A_140 = tpu.vector_load %arg11[%swap3A_139] {strides = array<i32>} : memref<640xf32, #tpu.memory_space<vmem>>, vector<16xf32>,
    %swap3A_141 = vector.shape_cast %swap3A_140 : vector<16xf32> to vector<16xf32>
    %swap3A_142 = vector.shape_cast %broadcast_in_dim3A_34 : vector<16xf32> to vector<16xf32>
    tpu.vector_store %arg11[%swap3A_139], %swap3A_142 {strides = array<i32>} : memref<640xf32, #tpu.memory_space<vmem>>, vector<16xf32>,
    %swap3A_143 = arith.constant 432 : index
    %swap3A_144 = tpu.vector_load %arg11[%swap3A_143] {strides = array<i32>} : memref<640xf32, #tpu.memory_space<vmem>>, vector<16xf32>,
    %swap3A_145 = vector.shape_cast %swap3A_144 : vector<16xf32> to vector<16xf32>
    %swap3A_146 = vector.shape_cast %broadcast_in_dim3A_34 : vector<16xf32> to vector<16xf32>
    tpu.vector_store %arg11[%swap3A_143], %swap3A_146 {strides = array<i32>} : memref<640xf32, #tpu.memory_space<vmem>>, vector<16xf32>,
    %swap3A_147 = arith.constant 448 : index
    %swap3A_148 = tpu.vector_load %arg11[%swap3A_147] {strides = array<i32>} : memref<640xf32, #tpu.memory_space<vmem>>, vector<16xf32>,
    %swap3A_149 = vector.shape_cast %swap3A_148 : vector<16xf32> to vector<16xf32>
    %swap3A_150 = vector.shape_cast %broadcast_in_dim3A_34 : vector<16xf32> to vector<16xf32>
    tpu.vector_store %arg11[%swap3A_147], %swap3A_150 {strides = array<i32>} : memref<640xf32, #tpu.memory_space<vmem>>, vector<16xf32>,
    %swap3A_151 = arith.constant 464 : index
    %swap3A_152 = tpu.vector_load %arg11[%swap3A_151] {strides = array<i32>} : memref<640xf32, #tpu.memory_space<vmem>>, vector<16xf32>,
    %swap3A_153 = vector.shape_cast %swap3A_152 : vector<16xf32> to vector<16xf32>
    %swap3A_154 = vector.shape_cast %broadcast_in_dim3A_34 : vector<16xf32> to vector<16xf32>
    tpu.vector_store %arg11[%swap3A_151], %swap3A_154 {strides = array<i32>} : memref<640xf32, #tpu.memory_space<vmem>>, vector<16xf32>,
    %swap3A_155 = arith.constant 480 : index
    %swap3A_156 = tpu.vector_load %arg11[%swap3A_155] {strides = array<i32>} : memref<640xf32, #tpu.memory_space<vmem>>, vector<16xf32>,
    %swap3A_157 = vector.shape_cast %swap3A_156 : vector<16xf32> to vector<16xf32>
    %swap3A_158 = vector.shape_cast %broadcast_in_dim3A_34 : vector<16xf32> to vector<16xf32>
    tpu.vector_store %arg11[%swap3A_155], %swap3A_158 {strides = array<i32>} : memref<640xf32, #tpu.memory_space<vmem>>, vector<16xf32>,
    %swap3A_159 = arith.constant 496 : index
    %swap3A_160 = tpu.vector_load %arg11[%swap3A_159] {strides = array<i32>} : memref<640xf32, #tpu.memory_space<vmem>>, vector<16xf32>,
    %swap3A_161 = vector.shape_cast %swap3A_160 : vector<16xf32> to vector<16xf32>
    %swap3A_162 = vector.shape_cast %broadcast_in_dim3A_34 : vector<16xf32> to vector<16xf32>
    tpu.vector_store %arg11[%swap3A_159], %swap3A_162 {strides = array<i32>} : memref<640xf32, #tpu.memory_space<vmem>>, vector<16xf32>,
    %swap3A_163 = arith.constant 512 : index
    %swap3A_164 = tpu.vector_load %arg11[%swap3A_163] {strides = array<i32>} : memref<640xf32, #tpu.memory_space<vmem>>, vector<16xf32>,
    %swap3A_165 = vector.shape_cast %swap3A_164 : vector<16xf32> to vector<16xf32>
    %swap3A_166 = vector.shape_cast %broadcast_in_dim3A_34 : vector<16xf32> to vector<16xf32>
    tpu.vector_store %arg11[%swap3A_163], %swap3A_166 {strides = array<i32>} : memref<640xf32, #tpu.memory_space<vmem>>, vector<16xf32>,
    %swap3A_167 = arith.constant 528 : index
    %swap3A_168 = tpu.vector_load %arg11[%swap3A_167] {strides = array<i32>} : memref<640xf32, #tpu.memory_space<vmem>>, vector<16xf32>,
    %swap3A_169 = vector.shape_cast %swap3A_168 : vector<16xf32> to vector<16xf32>
    %swap3A_170 = vector.shape_cast %broadcast_in_dim3A_34 : vector<16xf32> to vector<16xf32>
    tpu.vector_store %arg11[%swap3A_167], %swap3A_170 {strides = array<i32>} : memref<640xf32, #tpu.memory_space<vmem>>, vector<16xf32>,
    %swap3A_171 = arith.constant 544 : index
    %swap3A_172 = tpu.vector_load %arg11[%swap3A_171] {strides = array<i32>} : memref<640xf32, #tpu.memory_space<vmem>>, vector<16xf32>,
    %swap3A_173 = vector.shape_cast %swap3A_172 : vector<16xf32> to vector<16xf32>
    %swap3A_174 = vector.shape_cast %broadcast_in_dim3A_34 : vector<16xf32> to vector<16xf32>
    tpu.vector_store %arg11[%swap3A_171], %swap3A_174 {strides = array<i32>} : memref<640xf32, #tpu.memory_space<vmem>>, vector<16xf32>,
    %swap3A_175 = arith.constant 560 : index
    %swap3A_176 = tpu.vector_load %arg11[%swap3A_175] {strides = array<i32>} : memref<640xf32, #tpu.memory_space<vmem>>, vector<16xf32>,
    %swap3A_177 = vector.shape_cast %swap3A_176 : vector<16xf32> to vector<16xf32>
    %swap3A_178 = vector.shape_cast %broadcast_in_dim3A_34 : vector<16xf32> to vector<16xf32>
    tpu.vector_store %arg11[%swap3A_175], %swap3A_178 {strides = array<i32>} : memref<640xf32, #tpu.memory_space<vmem>>, vector<16xf32>,
    %swap3A_179 = arith.constant 576 : index
    %swap3A_180 = tpu.vector_load %arg11[%swap3A_179] {strides = array<i32>} : memref<640xf32, #tpu.memory_space<vmem>>, vector<16xf32>,
    %swap3A_181 = vector.shape_cast %swap3A_180 : vector<16xf32> to vector<16xf32>
    %swap3A_182 = vector.shape_cast %broadcast_in_dim3A_34 : vector<16xf32> to vector<16xf32>
    tpu.vector_store %arg11[%swap3A_179], %swap3A_182 {strides = array<i32>} : memref<640xf32, #tpu.memory_space<vmem>>, vector<16xf32>,
    %swap3A_183 = arith.constant 592 : index
    %swap3A_184 = tpu.vector_load %arg11[%swap3A_183] {strides = array<i32>} : memref<640xf32, #tpu.memory_space<vmem>>, vector<16xf32>,
    %swap3A_185 = vector.shape_cast %swap3A_184 : vector<16xf32> to vector<16xf32>
    %swap3A_186 = vector.shape_cast %broadcast_in_dim3A_34 : vector<16xf32> to vector<16xf32>
    tpu.vector_store %arg11[%swap3A_183], %swap3A_186 {strides = array<i32>} : memref<640xf32, #tpu.memory_space<vmem>>, vector<16xf32>,
    %swap3A_187 = arith.constant 608 : index
    %swap3A_188 = tpu.vector_load %arg11[%swap3A_187] {strides = array<i32>} : memref<640xf32, #tpu.memory_space<vmem>>, vector<16xf32>,
    %swap3A_189 = vector.shape_cast %swap3A_188 : vector<16xf32> to vector<16xf32>
    %swap3A_190 = vector.shape_cast %broadcast_in_dim3A_34 : vector<16xf32> to vector<16xf32>
    tpu.vector_store %arg11[%swap3A_187], %swap3A_190 {strides = array<i32>} : memref<640xf32, #tpu.memory_space<vmem>>, vector<16xf32>,
    %swap3A_191 = arith.constant 624 : index
    %swap3A_192 = tpu.vector_load %arg11[%swap3A_191] {strides = array<i32>} : memref<640xf32, #tpu.memory_space<vmem>>, vector<16xf32>,
    %swap3A_193 = vector.shape_cast %swap3A_192 : vector<16xf32> to vector<16xf32>
    %swap3A_194 = vector.shape_cast %broadcast_in_dim3A_34 : vector<16xf32> to vector<16xf32>
    tpu.vector_store %arg11[%swap3A_191], %swap3A_194 {strides = array<i32>} : memref<640xf32, #tpu.memory_space<vmem>>, vector<16xf32>,
    "tpu.region"() ({
      %run_scoped3A = tpu.sem_alloc : memref<!tpu.dma_semaphore, #tpu.memory_space<semaphore_mem>>
      %dma_start3A = arith.constant 0 : i32
      %dma_start3A_208 = tpu.memref_slice %arg11[%dma_start3A] : memref<640xf32, #tpu.memory_space<vmem>> -> memref<632xf32, #tpu.memory_space<vmem>>
      %dma_start3A_209 = tpu.memref_slice %arg9[%mul3A_0] : memref<10112xf32, #tpu.memory_space<vmem_shared>> -> memref<632xf32, #tpu.memory_space<vmem_shared>>
      %dma_start3A_210 = tpu.memref_slice %arg9[%mul3A_0] : memref<10112xf32, #tpu.memory_space<vmem_shared>> -> memref<632xf32, #tpu.memory_space<vmem_shared>>
      %dma_start3A_211 = arith.constant 0 : i32
      %dma_start3A_212 = tpu.memref_slice %arg11[%dma_start3A_211] : memref<640xf32, #tpu.memory_space<vmem>> -> memref<632xf32, #tpu.memory_space<vmem>>
      tpu.enqueue_dma source(%dma_start3A_212 : memref<632xf32, #tpu.memory_space<vmem>>) target(%dma_start3A_210 : memref<632xf32, #tpu.memory_space<vmem_shared>>) target_semaphore(%run_scoped3A : memref<!tpu.dma_semaphore, #tpu.memory_space<semaphore_mem>>)
      %dma_wait3A = arith.constant 0 : i32
      %dma_wait3A_213 = tpu.memref_slice %arg11[%dma_wait3A] : memref<640xf32, #tpu.memory_space<vmem>> -> memref<632xf32, #tpu.memory_space<vmem>>
      %dma_wait3A_214 = tpu.memref_slice %arg9[%mul3A_0] : memref<10112xf32, #tpu.memory_space<vmem_shared>> -> memref<632xf32, #tpu.memory_space<vmem_shared>>
      %dma_wait3A_215 = tpu.memref_slice %arg9[%mul3A_0] : memref<10112xf32, #tpu.memory_space<vmem_shared>> -> memref<632xf32, #tpu.memory_space<vmem_shared>>
      %dma_wait3A_216 = arith.constant 0 : i32
      %dma_wait3A_217 = tpu.memref_slice %arg11[%dma_wait3A_216] : memref<640xf32, #tpu.memory_space<vmem>> -> memref<632xf32, #tpu.memory_space<vmem>>
      tpu.wait_dma2 semaphore(%run_scoped3A : memref<!tpu.dma_semaphore, #tpu.memory_space<semaphore_mem>>) src(%dma_wait3A_217 : memref<632xf32, #tpu.memory_space<vmem>>) dst(%dma_wait3A_215 : memref<632xf32, #tpu.memory_space<vmem_shared>>)
      tpu.yield
    }) : () -> ()
    %barrier3A = arith.constant 0 : index
    tpu.barrier barrier_id(%barrier3A)
    %mul3A_195 = arith.constant 321536 : i32
    %mul3A_196 = arith.muli %arg0, %mul3A_195 : i32
    %mul3A_197 = arith.constant 20096 : i32
    %mul3A_198 = arith.muli %arg1, %mul3A_197 : i32
    %add3A = arith.addi %mul3A_196, %mul3A_198 : i32
    %scan3A = arith.constant 0 : i32
    %scan3A_199 = arith.constant 0 : i32
    %scan3A_200 = arith.constant 157 : i32
    %scan3A_201 = arith.addi %scan3A_199, %scan3A_200 : i32
    %scan3A_202 = arith.constant 1 : i32
    scf.for %scan3A_208 = %scan3A_199 to %scan3A_201 step %scan3A_202  : i32 {
      %mul3A_209 = arith.constant 128 : i32
      %mul3A_210 = arith.muli %scan3A_208, %mul3A_209 : i32
      %add3A_211 = arith.addi %add3A, %mul3A_210 : i32
      "tpu.region"() ({
        %run_scoped3A = tpu.sem_alloc : memref<!tpu.dma_semaphore, #tpu.memory_space<semaphore_mem>>
        %dma_start3A = tpu.memref_slice %arg3[%add3A_211] : memref<643072xi32, #tpu.memory_space<hbm>> -> memref<128xi32, #tpu.memory_space<hbm>>
        %dma_start3A_212 = tpu.memref_slice %arg3[%add3A_211] : memref<643072xi32, #tpu.memory_space<hbm>> -> memref<128xi32, #tpu.memory_space<hbm>>
        tpu.enqueue_dma source(%dma_start3A_212 : memref<128xi32, #tpu.memory_space<hbm>>) target(%arg12 : memref<128xi32, #tpu.memory_space<vmem>>) target_semaphore(%run_scoped3A : memref<!tpu.dma_semaphore, #tpu.memory_space<semaphore_mem>>)
        %dma_wait3A = tpu.memref_slice %arg3[%add3A_211] : memref<643072xi32, #tpu.memory_space<hbm>> -> memref<128xi32, #tpu.memory_space<hbm>>
        %dma_wait3A_213 = tpu.memref_slice %arg3[%add3A_211] : memref<643072xi32, #tpu.memory_space<hbm>> -> memref<128xi32, #tpu.memory_space<hbm>>
        tpu.wait_dma2 semaphore(%run_scoped3A : memref<!tpu.dma_semaphore, #tpu.memory_space<semaphore_mem>>) src(%dma_wait3A_213 : memref<128xi32, #tpu.memory_space<hbm>>) dst(%arg12 : memref<128xi32, #tpu.memory_space<vmem>>)
        tpu.yield
      }) : () -> ()
      "tpu.region"() ({
        %run_scoped3A = tpu.sem_alloc : memref<!tpu.dma_semaphore, #tpu.memory_space<semaphore_mem>>
        %dma_start3A = tpu.memref_slice %arg4[%add3A_211] : memref<643072xi32, #tpu.memory_space<hbm>> -> memref<128xi32, #tpu.memory_space<hbm>>
        %dma_start3A_212 = tpu.memref_slice %arg4[%add3A_211] : memref<643072xi32, #tpu.memory_space<hbm>> -> memref<128xi32, #tpu.memory_space<hbm>>
        tpu.enqueue_dma source(%dma_start3A_212 : memref<128xi32, #tpu.memory_space<hbm>>) target(%arg13 : memref<128xi32, #tpu.memory_space<vmem>>) target_semaphore(%run_scoped3A : memref<!tpu.dma_semaphore, #tpu.memory_space<semaphore_mem>>)
        %dma_wait3A = tpu.memref_slice %arg4[%add3A_211] : memref<643072xi32, #tpu.memory_space<hbm>> -> memref<128xi32, #tpu.memory_space<hbm>>
        %dma_wait3A_213 = tpu.memref_slice %arg4[%add3A_211] : memref<643072xi32, #tpu.memory_space<hbm>> -> memref<128xi32, #tpu.memory_space<hbm>>
        tpu.wait_dma2 semaphore(%run_scoped3A : memref<!tpu.dma_semaphore, #tpu.memory_space<semaphore_mem>>) src(%dma_wait3A_213 : memref<128xi32, #tpu.memory_space<hbm>>) dst(%arg13 : memref<128xi32, #tpu.memory_space<vmem>>)
        tpu.yield
      }) : () -> ()
      "tpu.region"() ({
        %run_scoped3A = tpu.sem_alloc : memref<!tpu.dma_semaphore, #tpu.memory_space<semaphore_mem>>
        %dma_start3A = arith.constant 0 : i32
        %dma_start3A_212 = arith.constant 0 : i32
        %dma_start3A_213 = tpu.memref_slice %arg2[%dma_start3A, %dma_start3A_212] : memref<10000x128xf32, #tpu.memory_space<hbm>> -> memref<10000x128xf32, #tpu.memory_space<hbm>>
        tpu.enqueue_indirect_dma source(%dma_start3A_213 : memref<10000x128xf32, #tpu.memory_space<hbm>>) target(%arg14 : memref<128x128xf32, #tpu.memory_space<vmem>>) offsets(%arg12 : memref<128xi32, #tpu.memory_space<vmem>>) semaphore(%run_scoped3A : memref<!tpu.dma_semaphore, #tpu.memory_space<semaphore_mem>>)
        %dma_wait3A = arith.constant 0 : i32
        %dma_wait3A_214 = arith.constant 0 : i32
        %dma_wait3A_215 = tpu.memref_slice %arg2[%dma_wait3A, %dma_wait3A_214] : memref<10000x128xf32, #tpu.memory_space<hbm>> -> memref<10000x128xf32, #tpu.memory_space<hbm>>
        tpu.wait_indirect_dma semaphore(%run_scoped3A : memref<!tpu.dma_semaphore, #tpu.memory_space<semaphore_mem>>) src(%dma_wait3A_215 : memref<10000x128xf32, #tpu.memory_space<hbm>>) dst(%arg14 : memref<128x128xf32, #tpu.memory_space<vmem>>)
        tpu.yield
      }) : () -> ()
      "tpu.region"() ({
        %run_scoped3A = tpu.sem_alloc : memref<!tpu.dma_semaphore, #tpu.memory_space<semaphore_mem>>
        %dma_start3A = arith.constant 0 : i32
        %dma_start3A_212 = arith.constant 0 : i32
        %dma_start3A_213 = tpu.memref_slice %arg8[%dma_start3A, %dma_start3A_212] : memref<10112x128xf32, #tpu.memory_space<vmem_shared>> -> memref<10112x128xf32, #tpu.memory_space<vmem_shared>>
        tpu.enqueue_indirect_dma source(%arg14 : memref<128x128xf32, #tpu.memory_space<vmem>>) target(%dma_start3A_213 : memref<10112x128xf32, #tpu.memory_space<vmem_shared>>) offsets(%arg13 : memref<128xi32, #tpu.memory_space<vmem>>) semaphore(%run_scoped3A : memref<!tpu.dma_semaphore, #tpu.memory_space<semaphore_mem>>) {add = true}
        %dma_wait3A = arith.constant 0 : i32
        %dma_wait3A_214 = arith.constant 0 : i32
        %dma_wait3A_215 = tpu.memref_slice %arg8[%dma_wait3A, %dma_wait3A_214] : memref<10112x128xf32, #tpu.memory_space<vmem_shared>> -> memref<10112x128xf32, #tpu.memory_space<vmem_shared>>
        tpu.wait_indirect_dma semaphore(%run_scoped3A : memref<!tpu.dma_semaphore, #tpu.memory_space<semaphore_mem>>) src(%arg14 : memref<128x128xf32, #tpu.memory_space<vmem>>) dst(%dma_wait3A_215 : memref<10112x128xf32, #tpu.memory_space<vmem_shared>>)
        tpu.yield
      }) : () -> ()
      "tpu.region"() ({
        %run_scoped3A = tpu.sem_alloc : memref<!tpu.dma_semaphore, #tpu.memory_space<semaphore_mem>>
        %dma_start3A = arith.constant 0 : i32
        %dma_start3A_212 = tpu.memref_slice %arg9[%dma_start3A] : memref<10112xf32, #tpu.memory_space<vmem_shared>> -> memref<10112xf32, #tpu.memory_space<vmem_shared>>
        tpu.enqueue_indirect_dma source(%arg10 : memref<128xf32, #tpu.memory_space<vmem>>) target(%dma_start3A_212 : memref<10112xf32, #tpu.memory_space<vmem_shared>>) offsets(%arg13 : memref<128xi32, #tpu.memory_space<vmem>>) semaphore(%run_scoped3A : memref<!tpu.dma_semaphore, #tpu.memory_space<semaphore_mem>>) {add = true}
        %dma_wait3A = arith.constant 0 : i32
        %dma_wait3A_213 = tpu.memref_slice %arg9[%dma_wait3A] : memref<10112xf32, #tpu.memory_space<vmem_shared>> -> memref<10112xf32, #tpu.memory_space<vmem_shared>>
        tpu.wait_indirect_dma semaphore(%run_scoped3A : memref<!tpu.dma_semaphore, #tpu.memory_space<semaphore_mem>>) src(%arg10 : memref<128xf32, #tpu.memory_space<vmem>>) dst(%dma_wait3A_213 : memref<10112xf32, #tpu.memory_space<vmem_shared>>)
        tpu.yield
      }) : () -> ()
    }
    %scan3A_203 = arith.constant 157 : i32
    %barrier3A_204 = arith.constant 0 : index
    tpu.barrier barrier_id(%barrier3A_204)
    "tpu.region"() ({
      %run_scoped3A = tpu.sem_alloc : memref<!tpu.dma_semaphore, #tpu.memory_space<semaphore_mem>>
      %dma_start3A = arith.constant 0 : i32
      %dma_start3A_208 = tpu.memref_slice %arg6[%arg0, %mul3A_0, %dma_start3A] : memref<2x10112x128xf32, #tpu.memory_space<hbm>> -> memref<1x632x128xf32, #tpu.memory_space<hbm>>
      %dma_start3A_209 = tpu.memref_squeeze %dma_start3A_208 : memref<1x632x128xf32, #tpu.memory_space<hbm>> -> memref<632x128xf32, #tpu.memory_space<hbm>>
      %dma_start3A_210 = arith.constant 0 : i32
      %dma_start3A_211 = tpu.memref_slice %arg8[%mul3A_0, %dma_start3A_210] : memref<10112x128xf32, #tpu.memory_space<vmem_shared>> -> memref<632x128xf32, #tpu.memory_space<vmem_shared>>
      tpu.enqueue_dma source(%dma_start3A_211 : memref<632x128xf32, #tpu.memory_space<vmem_shared>>) target(%dma_start3A_209 : memref<632x128xf32, #tpu.memory_space<hbm>>) target_semaphore(%run_scoped3A : memref<!tpu.dma_semaphore, #tpu.memory_space<semaphore_mem>>)
      %dma_wait3A = arith.constant 0 : i32
      %dma_wait3A_212 = tpu.memref_slice %arg6[%arg0, %mul3A_0, %dma_wait3A] : memref<2x10112x128xf32, #tpu.memory_space<hbm>> -> memref<1x632x128xf32, #tpu.memory_space<hbm>>
      %dma_wait3A_213 = tpu.memref_squeeze %dma_wait3A_212 : memref<1x632x128xf32, #tpu.memory_space<hbm>> -> memref<632x128xf32, #tpu.memory_space<hbm>>
      %dma_wait3A_214 = arith.constant 0 : i32
      %dma_wait3A_215 = tpu.memref_slice %arg8[%mul3A_0, %dma_wait3A_214] : memref<10112x128xf32, #tpu.memory_space<vmem_shared>> -> memref<632x128xf32, #tpu.memory_space<vmem_shared>>
      tpu.wait_dma2 semaphore(%run_scoped3A : memref<!tpu.dma_semaphore, #tpu.memory_space<semaphore_mem>>) src(%dma_wait3A_215 : memref<632x128xf32, #tpu.memory_space<vmem_shared>>) dst(%dma_wait3A_213 : memref<632x128xf32, #tpu.memory_space<hbm>>)
      tpu.yield
    }) : () -> ()
    "tpu.region"() ({
      %run_scoped3A = tpu.sem_alloc : memref<!tpu.dma_semaphore, #tpu.memory_space<semaphore_mem>>
      %dma_start3A = arith.constant 0 : i32
      %dma_start3A_208 = tpu.memref_slice %arg11[%dma_start3A] : memref<640xf32, #tpu.memory_space<vmem>> -> memref<632xf32, #tpu.memory_space<vmem>>
      %dma_start3A_209 = tpu.memref_slice %arg9[%mul3A_0] : memref<10112xf32, #tpu.memory_space<vmem_shared>> -> memref<632xf32, #tpu.memory_space<vmem_shared>>
      %dma_start3A_210 = arith.constant 0 : i32
      %dma_start3A_211 = tpu.memref_slice %arg11[%dma_start3A_210] : memref<640xf32, #tpu.memory_space<vmem>> -> memref<632xf32, #tpu.memory_space<vmem>>
      %dma_start3A_212 = tpu.memref_slice %arg9[%mul3A_0] : memref<10112xf32, #tpu.memory_space<vmem_shared>> -> memref<632xf32, #tpu.memory_space<vmem_shared>>
      tpu.enqueue_dma source(%dma_start3A_212 : memref<632xf32, #tpu.memory_space<vmem_shared>>) target(%dma_start3A_211 : memref<632xf32, #tpu.memory_space<vmem>>) target_semaphore(%run_scoped3A : memref<!tpu.dma_semaphore, #tpu.memory_space<semaphore_mem>>)
      %dma_wait3A = arith.constant 0 : i32
      %dma_wait3A_213 = tpu.memref_slice %arg11[%dma_wait3A] : memref<640xf32, #tpu.memory_space<vmem>> -> memref<632xf32, #tpu.memory_space<vmem>>
      %dma_wait3A_214 = tpu.memref_slice %arg9[%mul3A_0] : memref<10112xf32, #tpu.memory_space<vmem_shared>> -> memref<632xf32, #tpu.memory_space<vmem_shared>>
      %dma_wait3A_215 = arith.constant 0 : i32
      %dma_wait3A_216 = tpu.memref_slice %arg11[%dma_wait3A_215] : memref<640xf32, #tpu.memory_space<vmem>> -> memref<632xf32, #tpu.memory_space<vmem>>
      %dma_wait3A_217 = tpu.memref_slice %arg9[%mul3A_0] : memref<10112xf32, #tpu.memory_space<vmem_shared>> -> memref<632xf32, #tpu.memory_space<vmem_shared>>
      tpu.wait_dma2 semaphore(%run_scoped3A : memref<!tpu.dma_semaphore, #tpu.memory_space<semaphore_mem>>) src(%dma_wait3A_217 : memref<632xf32, #tpu.memory_space<vmem_shared>>) dst(%dma_wait3A_216 : memref<632xf32, #tpu.memory_space<vmem>>)
      tpu.yield
    }) : () -> ()
    %mul3A_205 = arith.constant 10112 : i32
    %mul3A_206 = arith.muli %arg0, %mul3A_205 : i32
    %add3A_207 = arith.addi %mul3A_206, %mul3A_0 : i32
    "tpu.region"() ({
      %run_scoped3A = tpu.sem_alloc : memref<!tpu.dma_semaphore, #tpu.memory_space<semaphore_mem>>
      %dma_start3A = arith.constant 0 : i32
      %dma_start3A_208 = tpu.memref_slice %arg11[%dma_start3A] : memref<640xf32, #tpu.memory_space<vmem>> -> memref<632xf32, #tpu.memory_space<vmem>>
      %dma_start3A_209 = tpu.memref_slice %arg7[%add3A_207] : memref<20224xf32, #tpu.memory_space<hbm>> -> memref<632xf32, #tpu.memory_space<hbm>>
      %dma_start3A_210 = tpu.memref_slice %arg7[%add3A_207] : memref<20224xf32, #tpu.memory_space<hbm>> -> memref<632xf32, #tpu.memory_space<hbm>>
      %dma_start3A_211 = arith.constant 0 : i32
      %dma_start3A_212 = tpu.memref_slice %arg11[%dma_start3A_211] : memref<640xf32, #tpu.memory_space<vmem>> -> memref<632xf32, #tpu.memory_space<vmem>>
      tpu.enqueue_dma source(%dma_start3A_212 : memref<632xf32, #tpu.memory_space<vmem>>) target(%dma_start3A_210 : memref<632xf32, #tpu.memory_space<hbm>>) target_semaphore(%run_scoped3A : memref<!tpu.dma_semaphore, #tpu.memory_space<semaphore_mem>>)
      %dma_wait3A = arith.constant 0 : i32
      %dma_wait3A_213 = tpu.memref_slice %arg11[%dma_wait3A] : memref<640xf32, #tpu.memory_space<vmem>> -> memref<632xf32, #tpu.memory_space<vmem>>
      %dma_wait3A_214 = tpu.memref_slice %arg7[%add3A_207] : memref<20224xf32, #tpu.memory_space<hbm>> -> memref<632xf32, #tpu.memory_space<hbm>>
      %dma_wait3A_215 = tpu.memref_slice %arg7[%add3A_207] : memref<20224xf32, #tpu.memory_space<hbm>> -> memref<632xf32, #tpu.memory_space<hbm>>
      %dma_wait3A_216 = arith.constant 0 : i32
      %dma_wait3A_217 = tpu.memref_slice %arg11[%dma_wait3A_216] : memref<640xf32, #tpu.memory_space<vmem>> -> memref<632xf32, #tpu.memory_space<vmem>>
      tpu.wait_dma2 semaphore(%run_scoped3A : memref<!tpu.dma_semaphore, #tpu.memory_space<semaphore_mem>>) src(%dma_wait3A_217 : memref<632xf32, #tpu.memory_space<vmem>>) dst(%dma_wait3A_215 : memref<632xf32, #tpu.memory_space<hbm>>)
      tpu.yield
    }) : () -> ()
    return
  }
}

module attributes {stable_mosaic.version = 14 : i64} {
  func.func @_tc_combine(%arg0: memref<2x10112x128xf32, #tpu.memory_space<vmem>>, %arg1: memref<2x10112x1xf32, #tpu.memory_space<vmem>>, %arg2: memref<10000x128xf32, #tpu.memory_space<vmem>>, %arg3: memref<10000x1xi32, #tpu.memory_space<vmem>>, %arg4: memref<10000x128xf32, #tpu.memory_space<vmem>>) attributes {dimension_semantics = [], scalar_prefetch = 0 : i64, scratch_operands = 0 : i64, tpu.core_type = #tpu.core_type<tc>} {
    %get3A = arith.constant 0 : index
    %get3A_0 = arith.constant 0 : index
    %get3A_1 = arith.constant 0 : index
    %get3A_2 = vector.load %arg1[%get3A, %get3A_0, %get3A_1] : memref<2x10112x1xf32, #tpu.memory_space<vmem>>, vector<1x10112x1xf32>
    %get3A_3 = vector.shape_cast %get3A_2 : vector<1x10112x1xf32> to vector<10112x1xf32>
    %slice3A = vector.extract_strided_slice %get3A_3 {offsets = [0, 0], sizes = [10000, 1], strides = [1, 1]} : vector<10112x1xf32> to vector<10000x1xf32>
    %max3A = arith.constant 1.000000e+00 : f32
    %max3A_4 = vector.broadcast %max3A : f32 to vector<10000x1xf32>
    %max3A_5 = arith.maximumf %slice3A, %max3A_4 : vector<10000x1xf32>
    %get3A_6 = arith.constant 1 : index
    %get3A_7 = arith.constant 0 : index
    %get3A_8 = arith.constant 0 : index
    %get3A_9 = vector.load %arg1[%get3A_6, %get3A_7, %get3A_8] : memref<2x10112x1xf32, #tpu.memory_space<vmem>>, vector<1x10112x1xf32>
    %get3A_10 = vector.shape_cast %get3A_9 : vector<1x10112x1xf32> to vector<10112x1xf32>
    %slice3A_11 = vector.extract_strided_slice %get3A_10 {offsets = [0, 0], sizes = [10000, 1], strides = [1, 1]} : vector<10112x1xf32> to vector<10000x1xf32>
    %max3A_12 = arith.constant 1.000000e+00 : f32
    %max3A_13 = vector.broadcast %max3A_12 : f32 to vector<10000x1xf32>
    %max3A_14 = arith.maximumf %slice3A_11, %max3A_13 : vector<10000x1xf32>
    %get3A_15 = arith.constant 0 : index
    %get3A_16 = arith.constant 0 : index
    %get3A_17 = arith.constant 0 : index
    %get3A_18 = vector.load %arg0[%get3A_15, %get3A_16, %get3A_17] : memref<2x10112x128xf32, #tpu.memory_space<vmem>>, vector<1x10112x128xf32>
    %get3A_19 = vector.shape_cast %get3A_18 : vector<1x10112x128xf32> to vector<10112x128xf32>
    %slice3A_20 = vector.extract_strided_slice %get3A_19 {offsets = [0, 0], sizes = [10000, 128], strides = [1, 1]} : vector<10112x128xf32> to vector<10000x128xf32>
    %div3A = vector.broadcast %max3A_5 : vector<10000x1xf32> to vector<10000x128xf32>
    %div3A_21 = arith.divf %slice3A_20, %div3A : vector<10000x128xf32>
    %get3A_22 = arith.constant 1 : index
    %get3A_23 = arith.constant 0 : index
    %get3A_24 = arith.constant 0 : index
    %get3A_25 = vector.load %arg0[%get3A_22, %get3A_23, %get3A_24] : memref<2x10112x128xf32, #tpu.memory_space<vmem>>, vector<1x10112x128xf32>
    %get3A_26 = vector.shape_cast %get3A_25 : vector<1x10112x128xf32> to vector<10112x128xf32>
    %slice3A_27 = vector.extract_strided_slice %get3A_26 {offsets = [0, 0], sizes = [10000, 128], strides = [1, 1]} : vector<10112x128xf32> to vector<10000x128xf32>
    %div3A_28 = vector.broadcast %max3A_14 : vector<10000x1xf32> to vector<10000x128xf32>
    %div3A_29 = arith.divf %slice3A_27, %div3A_28 : vector<10000x128xf32>
    %add3A = arith.addf %div3A_21, %div3A_29 : vector<10000x128xf32>
    %mul3A = arith.constant 5.000000e-01 : f32
    %mul3A_30 = vector.broadcast %mul3A : f32 to vector<10000x128xf32>
    %mul3A_31 = arith.mulf %mul3A_30, %add3A : vector<10000x128xf32>
    %get3A_32 = arith.constant 0 : index
    %get3A_33 = arith.constant 0 : index
    %get3A_34 = vector.load %arg3[%get3A_32, %get3A_33] : memref<10000x1xi32, #tpu.memory_space<vmem>>, vector<10000x1xi32>
    %gt3A = arith.constant 0 : i32
    %gt3A_35 = vector.broadcast %gt3A : i32 to vector<10000x1xi32>
    %gt3A_36 = arith.cmpi sgt, %get3A_34, %gt3A_35 : vector<10000x1xi32>
    %get3A_37 = arith.constant 0 : index
    %get3A_38 = arith.constant 0 : index
    %get3A_39 = vector.load %arg2[%get3A_37, %get3A_38] : memref<10000x128xf32, #tpu.memory_space<vmem>>, vector<10000x128xf32>
    %broadcast_in_dim3A = vector.shape_cast %gt3A_36 : vector<10000x1xi1> to vector<10000x1xi1>
    %broadcast_in_dim3A_40 = vector.broadcast %broadcast_in_dim3A : vector<10000x1xi1> to vector<10000x128xi1>
    %select_n3A = arith.select %broadcast_in_dim3A_40, %mul3A_31, %get3A_39 : vector<10000x128xi1>, vector<10000x128xf32>
    %swap3A = arith.constant 0 : index
    %swap3A_41 = arith.constant 0 : index
    %swap3A_42 = vector.load %arg4[%swap3A, %swap3A_41] : memref<10000x128xf32, #tpu.memory_space<vmem>>, vector<10000x128xf32>
    tpu.vector_store %arg4[%swap3A, %swap3A_41], %select_n3A {strides = array<i32>} : memref<10000x128xf32, #tpu.memory_space<vmem>>, vector<10000x128xf32>,
    return
  }
}

</mosaic_0001>

<sc_bundles>
// kernel: kernel.4.cloned.1.call-start
scs
__scs_entry_jumppad:
0x0: {  	(pc) =	sbr.rel $0x88, $3  }
0x1: {  	(tag) =	ssettag $0x0;
	lr =	simm.s32 $0x1  }
0x2: {  	[smem:$0x3F9D] =	sst lr;
	_ =	strace $0xD0000000  }
0x3: {  	_ = 	snop  }
0x4: {  	_ = 	snop  }
0x5: {  	_ = 	snop  }
0x6: {  	_ = 	snop  }
0x7: {  	_ = 	snop  }
__scs_overlays_trampoline_lowered:
0x8: {  	[smem:$0x3FAC] =	sst s0  }
0x9: {  	[smem:$0x3FAD] =	sst s1  }
0xa: {  	[smem:$0x3FAE] =	sst s2  }
0xb: {  	[smem:$0x3FAF] =	sst s3  }
0xc: {  	[smem:$0x3FB0] =	sst s4  }
0xd: {  	[smem:$0x3FB1] =	sst s5  }
0xe: {  	[smem:$0x3FB2] =	sst s6  }
0xf: {  	[smem:$0x3FB3] =	sst s7  }
0x10: {  	[smem:$0x3FB4] =	sst s8  }
0x11: {  	[smem:$0x3FB5] =	sst s9;
	s0 =	simm.s32 @!p0 $0x0  }
0x12: {  	s1 =	sld [smem:$0x3F9B];
	s0 =	simm.s32 @p0 $0x1  }
0x13: {  	[smem:$0x3FB6] =	sst s0;
	s0 =	simm.s32 @!p1 $0x0  }
0x14: {  	s2 =	sld [smem:$0x3F9A];
	s0 =	simm.s32 @p1 $0x1  }
0x15: {  	[smem:$0x3FB7] =	sst s0;
	s0 =	simm.s32 @!p2 $0x0  }
0x16: {  	s3 =	sld [smem:$0x3FDB];
	s0 =	simm.s32 @p2 $0x1  }
0x17: {  	s4 =	simm.s32 $0x1BF5;
	[smem:$0x3FB9] =	sst s0  }
0x18: {  	s0 =	sld [smem:$0x3F9C];
	_ =	swait.ge [sflag:s4], $0x0  }
0x19: {  	s7 =	sld [smem:$0x3F9D]  }
0x1a: {  	s8 =	sadd.s32 $0xFFFFE003, lr  }
0x1b: {  	s9 =	sadd.s32 $0xFFFFFEF7, lr;
	s5 =	simm.s32 $0xFFFFFFFF;
	p2 =	slt.u32 s8, $0xFFFFF086  }
0x1c: {  	p1 =	slt.u32 s9, $0xF7A;
	s5 =	simm.s32 @!p2 $0x0  }
0x1d: {  	s5 =	simm.s32 @p1 $0x1;
	p0 =	seq.s32 s7, s2  }
0x1e: {  	s7 =	smul.u32 @!p0 $0xF7A, s2;
	p2 =	seq.s32 @!p0 s5, $0x0  }
0x1f: {  	s9 =	smul.u32 $0xF7A, s1;
	s8 =	simm.s32 @!p0 $0x1BF5;
	p2 =	por !p2, p0  }
0x20: {  	[sflag:s8] =	ssyncset.s32 @!p0 $0xFFFFF086;
	s6 =	sadd.s32 @!p0 s3, s7;
	s7 =	simm.s32 @!p0 $0x108  }
0x21: {  	s3 =	sadd.s32 s3, s9;
	s6 =	sadd.s32 @!p0 $0x88, s6;
	s7 =	simm.s32 @p2 $0x1082  }
0x22: {  	[simem:s7], [sflag:s8] =	dma.local @!p0 [hbm:s6], $0xF7A  }
0x23: {  	s9 =	sor.u32 $0xD0000000, s2;
	s6 =	simm.s32 $0x108;
	_ =	swait.ge @!p0 [sflag:s8], $0x0  }
0x24: {  	s3 =	sadd.s32 $0x88, s3;
	s6 =	simm.s32 @!p1 $0x1082;
	[sflag:s4] =	ssyncset.s32 $0xFFFFF086  }
0x25: {  	[simem:s6], [sflag:s4] =	dma.local [hbm:s3], $0xF7A  }
0x26: {  	[smem:$0x3F9D] =	sst s1;
	(tag) =	ssettag s2;
	_ =	strace s9  }
0x27: {  	s1 =	sld [smem:$0x3FAD]  }
0x28: {  	s2 =	sld [smem:$0x3FAE]  }
0x29: {  	s4 =	sld [smem:$0x3FB0]  }
0x2a: {  	p0 =	seq.s32 s5, $0x0;
	s5 =	sld [smem:$0x3FB1]  }
0x2b: {  	s6 =	sld [smem:$0x3FB2]  }
0x2c: {  	s7 =	sld [smem:$0x3FB3]  }
0x2d: {  	s3 =	simm.s32 $0x108;
	s8 =	sld [smem:$0x3FB4]  }
0x2e: {  	s3 =	simm.s32 @!p0 $0x1082;
	s9 =	sld [smem:$0x3FB5]  }
0x2f: {  	lr =	sadd.s32 s0, s3;
	s0 =	sld [smem:$0x3FAC]  }
0x30: {  	s3 =	sld [smem:$0x3FAF]  }
0x31: {  	[smem:$0x3FB8] =	sst s10  }
0x32: {  	s10 =	sld [smem:$0x3FB6];
	_ =	sdelay $0x3  }
0x33: {  	p0 =	seq.s32 s10, $0x1;
	s10 =	sld [smem:$0x3FB8];
	_ =	sdelay $0x3  }
0x34: {  	[smem:$0x3FB8] =	sst s10  }
0x35: {  	s10 =	sld [smem:$0x3FB7];
	_ =	sdelay $0x3  }
0x36: {  	p1 =	seq.s32 s10, $0x1;
	s10 =	sld [smem:$0x3FB8];
	_ =	sdelay $0x3  }
0x37: {  	[smem:$0x3FB8] =	sst s10  }
0x38: {  	s10 =	sld [smem:$0x3FB9]  }
0x39: {  	_ = 	snop;
	(pc) =	sbr.ind lr, $3  }
0x3a: {  	_ = 	snop  }
0x3b: {  	_ = 	snop  }
0x3c: {  	p2 =	seq.s32 s10, $0x1;
	s10 =	sld [smem:$0x3FB8]  }
0x3d: {  	_ =	shalt  }
0x3e: {  	_ =	shalt  }
0x3f: {  	_ =	shalt  }
0x40: {  	_ =	shalt  }
0x41: {  	_ =	shalt  }
0x42: {  	_ =	shalt  }
0x43: {  	_ =	shalt  }
0x44: {  	_ =	shalt  }
0x45: {  	_ =	shalt  }
0x46: {  	_ =	shalt  }
0x47: {  	_ =	shalt  }
0x48: {  	_ =	shalt  }
0x49: {  	_ =	shalt  }
0x4a: {  	_ =	shalt  }
0x4b: {  	_ =	shalt  }
0x4c: {  	_ =	shalt  }
0x4d: {  	_ =	shalt  }
0x4e: {  	_ =	shalt  }
0x4f: {  	_ =	shalt  }
0x50: {  	_ =	shalt  }
0x51: {  	_ =	shalt  }
0x52: {  	_ =	shalt  }
0x53: {  	_ =	shalt  }
0x54: {  	_ =	shalt  }
0x55: {  	_ =	shalt  }
0x56: {  	_ =	shalt  }
0x57: {  	_ =	shalt  }
0x58: {  	_ =	shalt  }
0x59: {  	_ =	shalt  }
0x5a: {  	_ =	shalt  }
0x5b: {  	_ =	shalt  }
0x5c: {  	_ =	shalt  }
0x5d: {  	_ =	shalt  }
0x5e: {  	_ =	shalt  }
0x5f: {  	_ =	shalt  }
0x60: {  	_ =	shalt  }
0x61: {  	_ =	shalt  }
0x62: {  	_ =	shalt  }
0x63: {  	_ =	shalt  }
0x64: {  	_ =	shalt  }
0x65: {  	_ =	shalt  }
0x66: {  	_ =	shalt  }
0x67: {  	_ =	shalt  }
0x68: {  	_ =	shalt  }
0x69: {  	_ =	shalt  }
0x6a: {  	_ =	shalt  }
0x6b: {  	_ =	shalt  }
0x6c: {  	_ =	shalt  }
0x6d: {  	_ =	shalt  }
0x6e: {  	_ =	shalt  }
0x6f: {  	_ =	shalt  }
0x70: {  	_ =	shalt  }
0x71: {  	_ =	shalt  }
0x72: {  	_ =	shalt  }
0x73: {  	_ =	shalt  }
0x74: {  	_ =	shalt  }
0x75: {  	_ =	shalt  }
0x76: {  	_ =	shalt  }
0x77: {  	_ =	shalt  }
0x78: {  	_ =	shalt  }
0x79: {  	_ =	shalt  }
0x7a: {  	_ =	shalt  }
0x7b: {  	_ =	shalt  }
0x7c: {  	_ =	shalt  }
0x7d: {  	_ =	shalt  }
0x7e: {  	_ =	shalt  }
0x7f: {  	_ =	shalt  }
0x80: {  	_ =	shalt  }
0x81: {  	_ =	shalt  }
0x82: {  	_ =	shalt  }
0x83: {  	_ =	shalt  }
0x84: {  	_ =	shalt  }
0x85: {  	_ =	shalt  }
0x86: {  	_ =	shalt  }
0x87: {  	_ =	shalt  }
.Lfunc_end0:
.L_simem_size_0:
called_computation_lowered:
.L_overlay_start_0:
0x88: {  	s2 =	sld [smem:$0x3FD9]  }
0x89: {  	s3 =	sld [smem:$0x3FFE];
	_ =	sdelay $0x1  }
0x8a: {  	s1 =	srdreg.scid  }
0x8b: {  	s0 =	sand.u32 $0x1, s1  }
0x8c: {  	s17 =	sshll.u32 s0, $0xA;
	s2 =	sadd.s32 s3, s2  }
0x8d: {  	s2 =	sadd.s32 s2, s17  }
0x8e: {  	[smem:$0x3FC4] =	sst s2  }
0x8f: {  	_ = 	snop  }
0x90: {  	s2 =	sld [smem:$0x3FC9]  }
0x91: {  	s18 =	sld [smem:$0x3FD0];
	(tm) =	ssettm $0x1  }
0x92: {  	s4 =	sld [smem:$0x3FFB];
	_ =	sdelay $0x3  }
0x93: {  	_ =	strace s4  }
0x94: {  	s4 =	sld [smem:$0x3FFC];
	_ =	sdelay $0x3  }
0x95: {  	_ =	strace s4  }
0x96: {  	s4 =	sld [smem:$0x3FFD];
	_ =	sdelay $0x3  }
0x97: {  	_ =	strace s4  }
0x98: {  	_ =	strace $0x8FFFFFFF  }
0x99: {  	s19 =	sld [smem:$0x3FDB];
	_ =	sdelay $0x1  }
0x9a: {  	s5 =	simm.s32 $_scs_section_size  }
0x9b: {  	s6 =	simm.s32 $_size__tile_overlayer_lowered;
	s7 =	simm.s32 $_tile_overlayer_lowered  }
0x9c: {  	s22 =	simm.s32 $0x1BFF;
	s21 =	sshll.u32 s7, $0x1;
	s4 =	sadd.s32 s5, s19  }
0x9d: {  	s8 =	simm.s32 $0x0;
	s20 =	sshll.u32 s6, $0x1;
	s6 =	sadd.s32 s21, s4  }
0x9e: {  	[timem:s8], [sflag:s22] =	dma.local [hbm:s6], s20  }
0x9f: {  	_ =	swait.ge [sflag:s22], s20  }
0xa0: {  	s5 =	ssub.s32 $0x0, s20;
	[sflag:s22] =	ssyncset.done $0x0  }
0xa1: {  	[sflag:s22] =	ssyncadd.s32 s5;
	_ =	sdelay $0x1  }
0xa2: {  	s23 =	simm.s32 $0x1B8B  }
0xa3: {  	_ =	swait.ge [sflag:s23], $0x1  }
0xa4: {  	[sflag:s23] =	ssyncset.done $0x0  }
0xa5: {  	s25 =	simm.s32 $0x1B8E;
	s24 =	sld [smem:$0x3FFE];
	[sflag:s23] =	ssyncadd.s32 $0xFFFFFFFF  }
0xa6: {  	s26 =	simm.s32 $execute0_lowered;
	[smem:$0x3FD2] =	sst s25  }
0xa7: {  	s6 =	sshll.u32 s26, $0x1;
	_ =	strace $0x80000046;
	[dreg:$0x1] =	wrdreg $0xFFFFFFFF  }
0xa8: {  	s28 =	simm.s32 $_size_execute0_lowered;
	s4 =	sadd.s32 s4, s6;
	[dreg:$0x0] =	wrdreg $0x0  }
0xa9: {  	s6 =	sshll.u32 s28, $0x1;
	[dreg:$0x2] =	wrdreg s4  }
0xaa: {  	[dreg:$0x3] =	wrdreg s6  }
0xab: {  	[dreg:$0x4] =	wrdreg $0xC0  }
0xac: {  	_ =	task [dreg:s8], $0x5FFFF  }
0xad: {  	[dreg:$0x1] =	wrdreg $0xFFFFFFFF  }
0xae: {  	[dreg:$0x0] =	wrdreg $0x60  }
0xaf: {  	[dreg:$0x2] =	wrdreg s2  }
0xb0: {  	[dreg:$0x3] =	wrdreg s18  }
0xb1: {  	[dreg:$0x4] =	wrdreg s24  }
0xb2: {  	[dreg:$0x5] =	wrdreg $0x0  }
0xb3: {  	[dreg:$0x6] =	wrdreg $0x13C000  }
0xb4: {  	[dreg:$0x7] =	wrdreg $0x9  }
0xb5: {  	_ =	task.clear_ibuf [dreg:s8], $0x8FFFF;
	_ =	strace $0x90000046  }
0xb6: {  	s29 =	simm.s32 $0x9;
	_ =	strace $0x80000048  }
0xb7: {  	_ =	swait.ge [sflag:s29], $0x1  }
0xb8: {  	[sflag:s29] =	ssyncadd.s32 $0xFFFFFFFF  }
0xb9: {  	_ =	strace $0x90000048  }
0xba: {  	_ =	sfence  }
0xbb: {  	s30 =	sld [smem:$0x0];
	_ =	sdelay $0x2  }
0xbc: {  	s31 =	sshll.u32 s1, $0xD;
	s1 =	sshrl.u32 s1, $0x2  }
0xbd: {  	s3 =	sand.u32 $0x4000, s31;
	s1 =	sadd.s32 s1, s30  }
0xbe: {  	s0 =	sor.u32 s3, s0;
	s1 =	sshll.u32 s1, $0x11  }
0xbf: {  	s0 =	sor.u32 s1, s0  }
0xc0: {  	s0 =	sadd.s32 $0x8F2B, s0  }
0xc1: {  	[sflag:s0] =	ssyncadd.remote.s32 $0x1  }
0xc2: {  	_ =	sfence.sel $0xFFFF  }
0xc3: {  	[dreg:$0x0] =	wrdreg $0xFFFFFFFF;
	(pc) =	sbr.abs _section_cstart, $3  }
0xc4: {  	[dreg:$0x1] =	wrdreg $0xFFFFFFFF  }
0xc5: {  	_ =	task.clear_ibuf [dreg:s8], $0x2FFFF;
	_ =	strace $0x9FFFFFFF  }
0xc6: {  	(tm) =	ssettm $0x7FFFFFFF  }
0xc7: {  	_ =	shalt  }
tec
execute0_lowered:
.L_overlay_start_1:
0x0: {  	(tag) =	ssettag $0x1  }
0x1: {  	s0 =	rddreg [dreg:$0x0]  }
0x2: {  	s13 =	rddreg [dreg:$0x1]  }
0x3: {  	s1 =	srdreg.scid;
	s7 =	rddreg [dreg:$0x2]  }
0x4: {  	s3 =	rddreg [dreg:$0x3];
	s8 =	sand.u32 $0x1, s1  }
0x5: {  	s1 =	stileid.u32;
	s6 =	smul.u32 $0x4E800, s8  }
0x6: {  	s4 =	rddreg [dreg:$0x4];
	s9 =	smul.u32 $0x4E80, s1  }
0x7: {  	s2 =	rddreg [dreg:$0x5];
	s10 =	smul.u32 $0x13C000, s8  }
0x8: {  	s5 =	simm.s32 $0x0;
	s19 =	simm.s32 $0x80;
	s11 =	smul.u32 $0x13C00, s1  }
0x9: {  	s20 =	simm.s32 $0x14278;
	s21 =	simm.s32 $0x13E78;
	s28 =	smul.u32 $0x278, s1  }
0xa: {  	s22 =	simm.s32 $0x0;
	[smem:$0x7FF] =	sst s5;
	s12 =	smul.u32 $0x2780, s8  }
0xb: {  	_ =	strace $0x80000047;
	s30 =	smul.u32 $0x4F000, s1;
	s31 =	ssub.s32 $0x2, s8  }
0xc: {  	s16 =	sshll.u32 s1, $0x6;
	s8 =	sshrl.u32 s31, $0x1;
	s6 =	sadd.s32 s9, s6  }
0xd: {  	s10 =	sadd.s32 s11, s10;
	s29 =	sadd.s32 s28, s12;
	s12 =	sshrl.u32 s30, $0x2  }
0xe: {  	s17 =	ssub.s32 s31, s8;
	s8 =	sadd.s32 s28, s4;
	s14 =	sshrl.u32 s6, $0x3  }
0xf: {  	s6 =	sadd.s32 $0x15600, s7;
	s10 =	sshrl.u32 s10, $0x3;
	s11 =	sshrl.u32 s29, $0x3  }
0x10: {  	s18 =	sadd.s32 s12, s3;
	s15 =	sadd.s32 s14, s7;
	s10 =	sadd.s32 s10, s7  }
0x11: {  	s11 =	sadd.s32 s11, s7;
	s7 =	sor.u32 $0x1C01, s16;
	s13 =	sadd.s32 s14, s13  }
0x12: {  	s14 =	sshrl.u32 s18, $0x3;
	s16 =	simm.s32 $0x13EF8;
	s18 =	simm.s32 $0x141F8  }
0x13: {  	s9 =	sadd.s32 $0x18800, s10;
	s10 =	sadd.s32 $0x17E00, s11;
	s11 =	smax.u32 s17, $0x1  }
0x14: {  	v0 =	vimm.f32 $1.000000000e+00;
	v1 =	vimm.f32 $0.0e+00;
	s12 =	sadd.s32 $0x1C00, s15;
	s15 =	simm.s32 $0x1;
	s17 =	simm.s32 $0x14178  }
.LBB2_1:
0x15: {  	[spmem:s14], [sflag:s7] =	dma.local [hbm:s6], $0x2780  }
0x16: {  	_ =	swait.ge [sflag:s15], $0x2780  }
0x17: {  	[sflag:s15] =	ssyncset.done $0x0  }
0x18: {  	[sflag:s15] =	ssyncadd.s32 $0xFFFFD880  }
0x19: {  	[tilespmem:$0x13E78] =	vst v0  }
0x1a: {  	[tilespmem:$0x13E88] =	vst v0  }
0x1b: {  	[tilespmem:$0x13E98] =	vst v0  }
0x1c: {  	[tilespmem:$0x13EA8] =	vst v0  }
0x1d: {  	[tilespmem:$0x13EB8] =	vst v0  }
0x1e: {  	[tilespmem:$0x13EC8] =	vst v0  }
0x1f: {  	[tilespmem:$0x13ED8] =	vst v0  }
0x20: {  	[tilespmem:$0x13EE8] =	vst v0  }
0x21: {  	[tilespmem:$0x13EF8] =	vst v1  }
0x22: {  	[tilespmem:$0x13F08] =	vst v1  }
0x23: {  	[tilespmem:$0x13F18] =	vst v1  }
0x24: {  	[tilespmem:$0x13F28] =	vst v1  }
0x25: {  	[tilespmem:$0x13F38] =	vst v1  }
0x26: {  	[tilespmem:$0x13F48] =	vst v1  }
0x27: {  	[tilespmem:$0x13F58] =	vst v1  }
0x28: {  	[tilespmem:$0x13F68] =	vst v1  }
0x29: {  	[tilespmem:$0x13F78] =	vst v1  }
0x2a: {  	[tilespmem:$0x13F88] =	vst v1  }
0x2b: {  	[tilespmem:$0x13F98] =	vst v1  }
0x2c: {  	[tilespmem:$0x13FA8] =	vst v1  }
0x2d: {  	[tilespmem:$0x13FB8] =	vst v1  }
0x2e: {  	[tilespmem:$0x13FC8] =	vst v1  }
0x2f: {  	[tilespmem:$0x13FD8] =	vst v1  }
0x30: {  	[tilespmem:$0x13FE8] =	vst v1  }
0x31: {  	[tilespmem:$0x13FF8] =	vst v1  }
0x32: {  	[tilespmem:$0x14008] =	vst v1  }
0x33: {  	[tilespmem:$0x14018] =	vst v1  }
0x34: {  	[tilespmem:$0x14028] =	vst v1  }
0x35: {  	[tilespmem:$0x14038] =	vst v1  }
0x36: {  	[tilespmem:$0x14048] =	vst v1  }
0x37: {  	[tilespmem:$0x14058] =	vst v1  }
0x38: {  	[tilespmem:$0x14068] =	vst v1  }
0x39: {  	[tilespmem:$0x14078] =	vst v1  }
0x3a: {  	[tilespmem:$0x14088] =	vst v1  }
0x3b: {  	[tilespmem:$0x14098] =	vst v1  }
0x3c: {  	[tilespmem:$0x140A8] =	vst v1  }
0x3d: {  	[tilespmem:$0x140B8] =	vst v1  }
0x3e: {  	[tilespmem:$0x140C8] =	vst v1  }
0x3f: {  	[tilespmem:$0x140D8] =	vst v1  }
0x40: {  	[tilespmem:$0x140E8] =	vst v1  }
0x41: {  	[tilespmem:$0x140F8] =	vst v1  }
0x42: {  	[tilespmem:$0x14108] =	vst v1  }
0x43: {  	[tilespmem:$0x14118] =	vst v1  }
0x44: {  	[tilespmem:$0x14128] =	vst v1  }
0x45: {  	[tilespmem:$0x14138] =	vst v1  }
0x46: {  	[tilespmem:$0x14148] =	vst v1  }
0x47: {  	[tilespmem:$0x14158] =	vst v1  }
0x48: {  	[tilespmem:$0x14168] =	vst v1  }
0x49: {  	[spmem:s8] =	stream.linear.scatter [tilespmem:s16], [sflag:$0x1], $0x278, $0x38;
	[tilespmem:$0x18278] =	vst v63  }
0x4a: {  	_ =	swait.ge [sflag:s15], $0x278  }
0x4b: {  	[sflag:s15] =	ssyncset.done $0x0  }
0x4c: {  	[sflag:s15] =	ssyncadd.s32 $0xFFFFFD88  }
0x4d: {  	s23 =	sadd.s32 $0x0, s13;
	[bflag:$0x0] =	sbarrier.arrive $0xFFFF  }
0x4e: {  	[tilespmem:s17], [sflag:$0x1] =	stream.linear.gather [hbm4b:s23+s5], $0x80, $0x38;
	[tilespmem:$0x18278] =	vst v63  }
0x4f: {  	_ =	swait.ge [sflag:s15], $0x80  }
0x50: {  	[sflag:s15] =	ssyncset.done $0x0  }
0x51: {  	s31 =	sadd.s32 $0x0, s12;
	[sflag:s15] =	ssyncadd.s32 $0xFFFFFF80  }
0x52: {  	[tilespmem:s18], [sflag:$0x1] =	stream.linear.gather [hbm4b:s31+s5], $0x80, $0x38;
	[tilespmem:$0x18278] =	vst v63  }
0x53: {  	_ =	swait.ge [sflag:s15], $0x80  }
0x54: {  	[sflag:s15] =	ssyncset.done $0x0  }
0x55: {  	[sflag:s15] =	ssyncadd.s32 $0xFFFFFF80  }
0x56: {  	[tilespmem:s20], [sflag:$0x1] =	stream.indirect.gather [hbm4b:s0+s19], $0x80, s17, s19, $0xb8;
	[tilespmem:$0x18278] =	vst v63  }
0x57: {  	_ =	swait.ge [sflag:s15], $0x4000  }
0x58: {  	[sflag:s15] =	ssyncset.done $0x0  }
0x59: {  	[sflag:s15] =	ssyncadd.s32 $0xFFFFC000  }
0x5a: {  	[spmem:s3] =	stream.indirect.scatter.add.f32 [tilespmem:s20], [sflag:$0x1], $0x80, s18, s19, $0xb8;
	[tilespmem:$0x18278] =	vst v63  }
0x5b: {  	_ =	swait.ge [sflag:s15], $0x4000  }
0x5c: {  	[sflag:s15] =	ssyncset.done $0x0  }
0x5d: {  	[sflag:s15] =	ssyncadd.s32 $0xFFFFC000  }
0x5e: {  	[spmem:s4] =	stream.indirect.scatter.add.f32 [tilespmem:s21], [sflag:$0x1], $0x1, s18, s19, $0xb8;
	[tilespmem:$0x18278] =	vst v63  }
0x5f: {  	_ =	swait.ge [sflag:s15], $0x80  }
0x60: {  	s24 =	simm.s32 $0x20;
	s23 =	simm.s32 $0x10;
	[sflag:s15] =	ssyncset.done $0x0  }
.LBB2_2:
0x61: {  	s25 =	sadd.s32 s23, s13  }
0x62: {  	[sflag:s15] =	ssyncadd.s32 $0xFFFFFF80;
	s26 =	smov.u32 s24;
	s28 =	sadd.s32 $0x10, s24  }
0x63: {  	[tilespmem:s17], [sflag:$0x1] =	stream.linear.gather [hbm4b:s25+s5], $0x80, $0x38;
	[tilespmem:$0x18278] =	vst v63  }
0x64: {  	p0 =	sne.s32 s24, $0x9C0;
	_ =	swait.ge [sflag:s15], $0x80  }
0x65: {  	[sflag:s15] =	ssyncset.done $0x0  }
0x66: {  	s24 =	sadd.s32 s23, s12;
	s23 =	smov.u32 s26;
	[sflag:s15] =	ssyncadd.s32 $0xFFFFFF80  }
0x67: {  	[tilespmem:s18], [sflag:$0x1] =	stream.linear.gather [hbm4b:s24+s5], $0x80, $0x38;
	[tilespmem:$0x18278] =	vst v63  }
0x68: {  	_ =	swait.ge [sflag:s15], $0x80  }
0x69: {  	[sflag:s15] =	ssyncset.done $0x0  }
0x6a: {  	[sflag:s15] =	ssyncadd.s32 $0xFFFFFF80  }
0x6b: {  	[tilespmem:s20], [sflag:$0x1] =	stream.indirect.gather [hbm4b:s0+s19], $0x80, s17, s19, $0xb8;
	[tilespmem:$0x18278] =	vst v63  }
0x6c: {  	_ =	swait.ge [sflag:s15], $0x4000  }
0x6d: {  	[sflag:s15] =	ssyncset.done $0x0  }
0x6e: {  	[sflag:s15] =	ssyncadd.s32 $0xFFFFC000  }
0x6f: {  	[spmem:s3] =	stream.indirect.scatter.add.f32 [tilespmem:s20], [sflag:$0x1], $0x80, s18, s19, $0xb8;
	[tilespmem:$0x18278] =	vst v63  }
0x70: {  	_ =	swait.ge [sflag:s15], $0x4000  }
.Ltmp0:
0x71: {  	[sflag:s15] =	ssyncset.done $0x0;
	(pc) =	sbr.rel @p0 .LBB2_2-.Ltmp0, $4  }
0x72: {  	[sflag:s15] =	ssyncadd.s32 $0xFFFFC000  }
0x73: {  	[spmem:s4] =	stream.indirect.scatter.add.f32 [tilespmem:s21], [sflag:$0x1], $0x1, s18, s19, $0xb8;
	[tilespmem:$0x18278] =	vst v63  }
0x74: {  	_ =	swait.ge [sflag:s15], $0x80  }
0x75: {  	s24 =	smov.u32 s28;
	[sflag:s15] =	ssyncset.done $0x0  }
0x76: {  	s24 =	sadd.s32 s23, s13;
	[sflag:s15] =	ssyncadd.s32 $0xFFFFFF80  }
0x77: {  	[tilespmem:s17], [sflag:$0x1] =	stream.linear.gather [hbm4b:s24+s5], $0x80, $0x38;
	[tilespmem:$0x18278] =	vst v63  }
0x78: {  	_ =	swait.ge [sflag:s15], $0x80  }
0x79: {  	[sflag:s15] =	ssyncset.done $0x0  }
0x7a: {  	s31 =	sadd.s32 s23, s12;
	[sflag:s15] =	ssyncadd.s32 $0xFFFFFF80  }
0x7b: {  	[tilespmem:s18], [sflag:$0x1] =	stream.linear.gather [hbm4b:s31+s5], $0x80, $0x38;
	[tilespmem:$0x18278] =	vst v63  }
0x7c: {  	_ =	swait.ge [sflag:s15], $0x80  }
0x7d: {  	[sflag:s15] =	ssyncset.done $0x0  }
0x7e: {  	[sflag:s15] =	ssyncadd.s32 $0xFFFFFF80  }
0x7f: {  	[tilespmem:s20], [sflag:$0x1] =	stream.indirect.gather [hbm4b:s0+s19], $0x80, s17, s19, $0xb8;
	[tilespmem:$0x18278] =	vst v63  }
0x80: {  	_ =	swait.ge [sflag:s15], $0x4000  }
0x81: {  	[sflag:s15] =	ssyncset.done $0x0  }
0x82: {  	[sflag:s15] =	ssyncadd.s32 $0xFFFFC000  }
0x83: {  	[spmem:s3] =	stream.indirect.scatter.add.f32 [tilespmem:s20], [sflag:$0x1], $0x80, s18, s19, $0xb8;
	[tilespmem:$0x18278] =	vst v63  }
0x84: {  	_ =	swait.ge [sflag:s15], $0x4000  }
0x85: {  	[sflag:s15] =	ssyncset.done $0x0  }
0x86: {  	[sflag:s15] =	ssyncadd.s32 $0xFFFFC000  }
0x87: {  	[spmem:s4] =	stream.indirect.scatter.add.f32 [tilespmem:s21], [sflag:$0x1], $0x1, s18, s19, $0xb8;
	[tilespmem:$0x18278] =	vst v63  }
0x88: {  	_ =	swait.ge [sflag:s15], $0x80  }
0x89: {  	[sflag:s15] =	ssyncset.done $0x0  }
0x8a: {  	[sflag:s15] =	ssyncadd.s32 $0xFFFFFF80  }
0x8b: {  	[bflag:$0x0] =	sbarrier.arrive $0xFFFF  }
0x8c: {  	[hbm:s9], [sflag:s7] =	dma.local [spmem:s14], $0x2780  }
0x8d: {  	_ =	swait.ge [sflag:s15], $0x2780  }
0x8e: {  	[sflag:s15] =	ssyncset.done $0x0  }
0x8f: {  	[sflag:s15] =	ssyncadd.s32 $0xFFFFD880  }
0x90: {  	[tilespmem:s16], [sflag:$0x1] =	stream.linear.gather [spmem:s8], $0x278, $0x38;
	[tilespmem:$0x18278] =	vst v63  }
0x91: {  	s22 =	sadd.s32 $0x1, s22;
	_ =	swait.ge [sflag:s15], $0x278  }
0x92: {  	p0 =	sne.s32 s22, s11;
	[sflag:s15] =	ssyncset.done $0x0  }
.Ltmp1:
0x93: {  	[sflag:s15] =	ssyncadd.s32 $0xFFFFFD88;
	(pc) =	sbr.rel @p0 .LBB2_1-.Ltmp1, $4  }
0x94: {  	[hbm4b:s10+s5] =	stream.linear.scatter [tilespmem:s16], [sflag:$0x1], $0x278, $0x38;
	[tilespmem:$0x18278] =	vst v63  }
0x95: {  	_ =	swait.ge [sflag:s15], $0x278  }
0x96: {  	[sflag:s15] =	ssyncset.done $0x0  }
0x97: {  	[sflag:s15] =	ssyncadd.s32 $0xFFFFFD88  }
0x98: {  	_ =	sfence.sel $0x180000  }
0x99: {  	[bflag:$0x0] =	sbarrier.arrive $0xFFFF  }
0x9a: {  	p0 =	sne.s32 s1, $0x0;
	_ =	strace $0x90000047  }
0x9b: {  	s0 =	sadd.s32 @!p0 $0x100000, s2;
	[bflag:$0x2] =	sbarrier.arrive $0xFFFF  }
0x9c: {  	[sflag:s0] =	ssyncadd.tile.s32 @!p0 $0x1;
	_ =	shalt  }
.Lfunc_end2:
_tile_overlayer_lowered:
.L_overlay_start_2:
0x9d: {  	(tag) =	ssettag $0x2  }
0x9e: {  	s0 =	rddreg [dreg:$0x0];
	s2 =	stileid.u32  }
0x9f: {  	s1 =	rddreg [dreg:$0x1];
	p0 =	sne.s32 s2, $0x0  }
0xa0: {  	s3 =	rddreg [dreg:$0x2];
	[bflag:$0x3] =	sbarrier.arrive $0xFFFF;
	s2 =	simm.s32 @!p0 $0x1C01  }
0xa1: {  	[timem:s3], [sflag:s2] =	dma.local @!p0 [hbm:s0], s1  }
0xa2: {  	s0 =	simm.s32 @!p0 $0x1  }
0xa3: {  	_ =	swait.ge @!p0 [sflag:s0], s1  }
0xa4: {  	s1 =	ssub.s32 @!p0 $0x0, s1;
	[sflag:s0] =	ssyncset.done @!p0 $0x0  }
0xa5: {  	[sflag:s0] =	ssyncadd.s32 @!p0 s1  }
0xa6: {  	[bflag:$0x3] =	sbarrier.arrive $0xFFFF  }
0xa7: {  	_ =	shalt  }

</sc_bundles>
